<compile_context>
chip_gen: v7x
topology: tpu7x:2x2x1
jax: 0.10.2.dev20260603
libtpu: 0.0.44.dev20260713+nightly
codegen_flags: <defaults>
</compile_context>

<pallas_src>
import jax
import jax.numpy as jnp
import numpy as np
from jax import lax
from jax.experimental import pallas as pl
from jax.experimental.pallas import tpu as pltpu
from jax.experimental.pallas import tpu_sc as plsc

N_BATCH = 128
ROW = 30
N_ROWS = 128 * 14 * 14
NC, NS, L = 2, 16, 16
N_W = NC * NS
ROWS_PER_W = N_ROWS // N_W
CHUNKS = ROWS_PER_W // L
SLAB = ROWS_PER_W * ROW

INV14 = np.float32(1.0 / 14.0)


def _sqrt(x):
    i = lax.bitcast_convert_type(x, jnp.int32)
    i = 0x5F3759DF - jnp.right_shift(i, 1)
    y = lax.bitcast_convert_type(i, jnp.float32)
    for _ in range(2):
        y = y * (1.5 - 0.5 * x * y * y)
    return x * y


def _corners(x, y, w, h):
    cx = x * INV14
    cy = y * INV14
    return cx - 0.5 * w, cy - 0.5 * h, cx + 0.5 * w, cy + 0.5 * h


def _iou(px, py, pw, ph, tx0, ty0, tx1, ty1, ta):
    ax0, ay0, ax1, ay1 = _corners(px, py, pw, ph)
    iw = jnp.maximum(jnp.minimum(ax1, tx1) - jnp.maximum(ax0, tx0), 0.0)
    ih = jnp.maximum(jnp.minimum(ay1, ty1) - jnp.maximum(ay0, ty0), 0.0)
    inter = iw * ih
    a1 = pw * ph
    return inter / (a1 + ta - inter)


HALF_CHUNKS = 25
HALF = HALF_CHUNKS * L * ROW


def _body(pred_hbm, targ_hbm, out_hbm, pred_v, targ_v, stage_v,
          psem0, tsem0, psem1, tsem1):
    cc = lax.axis_index("c")
    ss = lax.axis_index("s")
    wid = cc * NS + ss
    base = wid * SLAB
    hp0 = pltpu.async_copy(pred_hbm.at[pl.ds(base, HALF)],
                           pred_v.at[pl.ds(0, HALF)], psem0)
    ht0 = pltpu.async_copy(targ_hbm.at[pl.ds(base, HALF)],
                           targ_v.at[pl.ds(0, HALF)], tsem0)
    hp1 = pltpu.async_copy(pred_hbm.at[pl.ds(base + HALF, SLAB - HALF)],
                           pred_v.at[pl.ds(HALF, SLAB - HALF)], psem1)
    ht1 = pltpu.async_copy(targ_hbm.at[pl.ds(base + HALF, SLAB - HALF)],
                           targ_v.at[pl.ds(HALF, SLAB - HALF)], tsem1)
    hp0.wait()
    ht0.wait()

    lane_row = lax.iota(jnp.int32, L) * ROW

    def chunk(i, acc):
        @pl.when(i == HALF_CHUNKS)
        def _():
            hp1.wait()
            ht1.wait()
        rb = lane_row + i * (L * ROW)
        idx_memo = {}

        def ix(col):
            if col not in idx_memo:
                idx_memo[col] = rb + col
            return idx_memo[col]

        gp = lambda col: plsc.load_gather(pred_v, [ix(col)])
        gt = lambda col: plsc.load_gather(targ_v, [ix(col)])
        t0, t1, t2, t3 = gt(0), gt(1), gt(2), gt(3)
        tx0, ty0, tx1, ty1 = _corners(t0, t1, t2, t3)
        ta = t2 * t3
        p0, p1, p2, p3, p4 = gp(0), gp(1), gp(2), gp(3), gp(4)
        p5, p6, p7, p8, p9 = gp(5), gp(6), gp(7), gp(8), gp(9)
        iou0 = _iou(p0, p1, p2, p3, tx0, ty0, tx1, ty1, ta)
        iou1 = _iou(p5, p6, p7, p8, tx0, ty0, tx1, ty1, ta)
        sel0 = iou0 >= iou1
        max_iou = jnp.maximum(iou0, iou1)
        sx = jnp.where(sel0, p0, p5)
        sy = jnp.where(sel0, p1, p6)
        sw = jnp.where(sel0, p2, p7)
        sh = jnp.where(sel0, p3, p8)
        sc = jnp.where(sel0, p4, p9)
        ncf = jnp.where(sel0, p9, p4)
        t5, t6, t7, t8 = gt(5), gt(6), gt(7), gt(8)
        rtx = jnp.where(sel0, t0, t5)
        rty = jnp.where(sel0, t1, t6)
        rtw = jnp.where(sel0, t2, t7)
        rth = jnp.where(sel0, t3, t8)
        def sq(v):
            return v * v
        contain = sq(sc - max_iou)
        loc = (sq(sx - rtx) + sq(sy - rty)
               + sw + rtw - 2.0 * _sqrt(sw * rtw)
               + sh + rth - 2.0 * _sqrt(sh * rth))
        cls = jnp.zeros((L,), jnp.float32)
        for col in range(10, 30):
            d = gp(col) - gt(col)
            cls = cls + d * d
        t4 = gt(4)
        t9 = gt(9)
        noo = sq(p4 - t4) + sq(p9 - t9)
        coo = t4 > 0.0
        row = jnp.where(coo, 5.0 * loc + 2.0 * contain + ncf * ncf + cls,
                        0.5 * noo)
        return acc + row

    acc = lax.fori_loop(0, CHUNKS, chunk, jnp.zeros((L,), jnp.float32))

    stage_v[...] = acc * np.float32(1.0 / N_BATCH)
    pltpu.sync_copy(stage_v, out_hbm.at[wid])


def kernel(pred_tensor, target_tensor):
    pf = pred_tensor.reshape(-1)
    tf = target_tensor.reshape(-1)
    sck = pl.kernel(
        _body,
        out_type=jax.ShapeDtypeStruct((N_W, L), jnp.float32),
        mesh=plsc.VectorSubcoreMesh(core_axis_name="c", subcore_axis_name="s",
                                    num_cores=NC),
        scratch_types=[
            pltpu.VMEM((SLAB,), jnp.float32),
            pltpu.VMEM((SLAB,), jnp.float32),
            pltpu.VMEM((L,), jnp.float32),
            pltpu.SemaphoreType.DMA,
            pltpu.SemaphoreType.DMA,
            pltpu.SemaphoreType.DMA,
            pltpu.SemaphoreType.DMA,
        ],
        compiler_params=pltpu.CompilerParams(needs_layout_passes=False),
    )
    partials = sck(pf, tf)
    return jnp.sum(partials)

# --- scband reference (transcript-rebuilt; emitter-appended) ---
"""Pipeline reference for scband-yolo-loss-996432413087 (READ-ONLY COPY).

The authoritative reference and input builder live on the scoring server;
editing this copy changes nothing except your own understanding.
"""

import jax, jax.numpy as jnp
import numpy as np

L_COORD = 5.0
L_NOOBJ = 0.5

def setup_inputs(seed: int = 0):
    key = jax.random.key(seed)
    k1, k2 = jax.random.split(key)
    pred_tensor = jax.random.uniform(k1, (128, 14, 14, 30), dtype=jnp.float32, minval=1e-3, maxval=1.0)
    target_tensor = jax.random.uniform(k2, (128, 14, 14, 30), dtype=jnp.float32, minval=1e-3, maxval=1.0)
    return {"pred_tensor": pred_tensor, "target_tensor": target_tensor}

def reference(pred_tensor, target_tensor):
    N = pred_tensor.shape[0]
    coo_flat = (target_tensor[..., 4] > 0).reshape(-1)
    pred_flat = pred_tensor.reshape(-1, 30)
    targ_flat = target_tensor.reshape(-1, 30)
    noo_mask = jnp.logical_not(coo_flat)
    class_pred = pred_flat[:, 10:]
    class_target = targ_flat[:, 10:]
    cols = jnp.array([4, 9])
    noo_sq = (pred_flat[:, cols] - targ_flat[:, cols]) ** 2
    nooobj_loss = jnp.sum(jnp.where(noo_mask[:, None], noo_sq, 0.0))
    n_pairs = pred_flat.shape[0]
    bp = pred_flat[:, :10].reshape(n_pairs, 2, 5)
    xy1 = bp[..., :2] / 14.0
    half1 = 0.5 * bp[..., 2:4]
    b1 = jnp.concatenate([xy1 - half1, xy1 + half1], axis=-1)
    bt = targ_flat[:, :10].reshape(n_pairs, 2, 5)[:, 0, :]
    xy2 = bt[:, :2] / 14.0
    half2 = 0.5 * bt[:, 2:4]
    b2 = jnp.concatenate([xy2 - half2, xy2 + half2], axis=-1)
    lt = jnp.maximum(b1[..., :2], b2[:, None, :2])
    rb = jnp.minimum(b1[..., 2:], b2[:, None, 2:])
    wh = jnp.clip(rb - lt, 0.0, None)
    inter = wh[..., 0] * wh[..., 1]
    area1 = (b1[..., 2] - b1[..., 0]) * (b1[..., 3] - b1[..., 1])
    area2 = (b2[:, 2] - b2[:, 0]) * (b2[:, 3] - b2[:, 1])
    iou = inter / (area1 + area2[:, None] - inter)
    max_iou = jax.lax.stop_gradient(jnp.max(iou, axis=1))
    max_index = jnp.argmax(iou, axis=1)
    bt_pairs = targ_flat[:, :10].reshape(n_pairs, 2, 5)
    bpr = jnp.take_along_axis(bp, max_index[:, None, None], axis=1)[:, 0, :]
    btr = jnp.take_along_axis(bt_pairs, max_index[:, None, None], axis=1)[:, 0, :]
    bpn = jnp.take_along_axis(bp, (1 - max_index)[:, None, None], axis=1)[:, 0, :]
    contain_loss = jnp.sum(jnp.where(coo_flat, (bpr[:, 4] - max_iou) ** 2, 0.0))
    loc_sq_xy = (bpr[:, :2] - btr[:, :2]) ** 2
    loc_sq_wh = (jnp.sqrt(bpr[:, 2:4]) - jnp.sqrt(btr[:, 2:4])) ** 2
    loc_loss = jnp.sum(jnp.where(coo_flat[:, None], loc_sq_xy, 0.0)) + jnp.sum(jnp.where(coo_flat[:, None], loc_sq_wh, 0.0))
    not_contain_loss = jnp.sum(jnp.where(coo_flat, bpn[:, 4] ** 2, 0.0))
    class_sq = (class_pred - class_target) ** 2
    class_loss = jnp.sum(jnp.where(coo_flat[:, None], class_sq, 0.0))
    return (L_COORD * loc_loss + 2.0 * contain_loss + not_contain_loss + L_NOOBJ * nooobj_loss + class_loss) / N

if __name__ == "__main__":
    import jax
    _d = setup_inputs()
    print(jax.jit(kernel)(*tuple(_d.values())))

</pallas_src>

<mosaic_0001>
#map = affine_map<(d0, d1) -> (0)>
#map1 = affine_map<(d0, d1) -> (0, 0)>
module attributes {stable_mosaic.version = 14 : i64} {
  func.func @_body(%arg0: i32, %arg1: i32, %arg2: memref<752640xf32, #tpu.memory_space<hbm>>, %arg3: memref<752640xf32, #tpu.memory_space<hbm>>, %arg4: memref<32x16xf32, #tpu.memory_space<hbm>>, %arg5: memref<23520xf32, #tpu.memory_space<vmem>>, %arg6: memref<23520xf32, #tpu.memory_space<vmem>>, %arg7: memref<16xf32, #tpu.memory_space<vmem>>, %arg8: memref<!tpu.dma_semaphore, #tpu.memory_space<semaphore_mem>>, %arg9: memref<!tpu.dma_semaphore, #tpu.memory_space<semaphore_mem>>, %arg10: memref<!tpu.dma_semaphore, #tpu.memory_space<semaphore_mem>>, %arg11: memref<!tpu.dma_semaphore, #tpu.memory_space<semaphore_mem>>) attributes {dimension_semantics = [#tpu.dimension_semantics<core_parallel>, #tpu.dimension_semantics<subcore_parallel>], iteration_bounds = array<i64: 2, 16>, scalar_prefetch = 0 : i64, scratch_operands = 7 : i64, tpu.core_type = #tpu.core_type<sc_vector_subcore>, window_params = [{transform_indices = #map}, {transform_indices = #map}, {transform_indices = #map1}]} {
    %mul3A = arith.constant 16 : i32
    %mul3A_0 = arith.muli %arg0, %mul3A : i32
    %add3A = arith.addi %mul3A_0, %arg1 : i32
    %mul3A_1 = arith.constant 23520 : i32
    %mul3A_2 = arith.muli %add3A, %mul3A_1 : i32
    %dma_start3A = arith.constant 0 : i32
    %dma_start3A_3 = tpu.memref_slice %arg5[%dma_start3A] : memref<23520xf32, #tpu.memory_space<vmem>> -> memref<12000xf32, #tpu.memory_space<vmem>>
    %dma_start3A_4 = tpu.memref_slice %arg2[%mul3A_2] : memref<752640xf32, #tpu.memory_space<hbm>> -> memref<12000xf32, #tpu.memory_space<hbm>>
    %dma_start3A_5 = arith.constant 0 : i32
    %dma_start3A_6 = tpu.memref_slice %arg5[%dma_start3A_5] : memref<23520xf32, #tpu.memory_space<vmem>> -> memref<12000xf32, #tpu.memory_space<vmem>>
    %dma_start3A_7 = tpu.memref_slice %arg2[%mul3A_2] : memref<752640xf32, #tpu.memory_space<hbm>> -> memref<12000xf32, #tpu.memory_space<hbm>>
    tpu.enqueue_dma source(%dma_start3A_7 : memref<12000xf32, #tpu.memory_space<hbm>>) target(%dma_start3A_6 : memref<12000xf32, #tpu.memory_space<vmem>>) target_semaphore(%arg8 : memref<!tpu.dma_semaphore, #tpu.memory_space<semaphore_mem>>)
    %dma_start3A_8 = arith.constant 0 : i32
    %dma_start3A_9 = tpu.memref_slice %arg6[%dma_start3A_8] : memref<23520xf32, #tpu.memory_space<vmem>> -> memref<12000xf32, #tpu.memory_space<vmem>>
    %dma_start3A_10 = tpu.memref_slice %arg3[%mul3A_2] : memref<752640xf32, #tpu.memory_space<hbm>> -> memref<12000xf32, #tpu.memory_space<hbm>>
    %dma_start3A_11 = arith.constant 0 : i32
    %dma_start3A_12 = tpu.memref_slice %arg6[%dma_start3A_11] : memref<23520xf32, #tpu.memory_space<vmem>> -> memref<12000xf32, #tpu.memory_space<vmem>>
    %dma_start3A_13 = tpu.memref_slice %arg3[%mul3A_2] : memref<752640xf32, #tpu.memory_space<hbm>> -> memref<12000xf32, #tpu.memory_space<hbm>>
    tpu.enqueue_dma source(%dma_start3A_13 : memref<12000xf32, #tpu.memory_space<hbm>>) target(%dma_start3A_12 : memref<12000xf32, #tpu.memory_space<vmem>>) target_semaphore(%arg9 : memref<!tpu.dma_semaphore, #tpu.memory_space<semaphore_mem>>)
    %add3A_14 = arith.constant 12000 : i32
    %add3A_15 = arith.addi %mul3A_2, %add3A_14 : i32
    %dma_start3A_16 = arith.constant 12000 : i32
    %dma_start3A_17 = tpu.memref_slice %arg5[%dma_start3A_16] : memref<23520xf32, #tpu.memory_space<vmem>> -> memref<11520xf32, #tpu.memory_space<vmem>>
    %dma_start3A_18 = tpu.memref_slice %arg2[%add3A_15] : memref<752640xf32, #tpu.memory_space<hbm>> -> memref<11520xf32, #tpu.memory_space<hbm>>
    %dma_start3A_19 = arith.constant 12000 : i32
    %dma_start3A_20 = tpu.memref_slice %arg5[%dma_start3A_19] : memref<23520xf32, #tpu.memory_space<vmem>> -> memref<11520xf32, #tpu.memory_space<vmem>>
    %dma_start3A_21 = tpu.memref_slice %arg2[%add3A_15] : memref<752640xf32, #tpu.memory_space<hbm>> -> memref<11520xf32, #tpu.memory_space<hbm>>
    tpu.enqueue_dma source(%dma_start3A_21 : memref<11520xf32, #tpu.memory_space<hbm>>) target(%dma_start3A_20 : memref<11520xf32, #tpu.memory_space<vmem>>) target_semaphore(%arg10 : memref<!tpu.dma_semaphore, #tpu.memory_space<semaphore_mem>>)
    %add3A_22 = arith.constant 12000 : i32
    %add3A_23 = arith.addi %mul3A_2, %add3A_22 : i32
    %dma_start3A_24 = arith.constant 12000 : i32
    %dma_start3A_25 = tpu.memref_slice %arg6[%dma_start3A_24] : memref<23520xf32, #tpu.memory_space<vmem>> -> memref<11520xf32, #tpu.memory_space<vmem>>
    %dma_start3A_26 = tpu.memref_slice %arg3[%add3A_23] : memref<752640xf32, #tpu.memory_space<hbm>> -> memref<11520xf32, #tpu.memory_space<hbm>>
    %dma_start3A_27 = arith.constant 12000 : i32
    %dma_start3A_28 = tpu.memref_slice %arg6[%dma_start3A_27] : memref<23520xf32, #tpu.memory_space<vmem>> -> memref<11520xf32, #tpu.memory_space<vmem>>
    %dma_start3A_29 = tpu.memref_slice %arg3[%add3A_23] : memref<752640xf32, #tpu.memory_space<hbm>> -> memref<11520xf32, #tpu.memory_space<hbm>>
    tpu.enqueue_dma source(%dma_start3A_29 : memref<11520xf32, #tpu.memory_space<hbm>>) target(%dma_start3A_28 : memref<11520xf32, #tpu.memory_space<vmem>>) target_semaphore(%arg11 : memref<!tpu.dma_semaphore, #tpu.memory_space<semaphore_mem>>)
    %dma_wait3A = arith.constant 0 : i32
    %dma_wait3A_30 = tpu.memref_slice %arg5[%dma_wait3A] : memref<23520xf32, #tpu.memory_space<vmem>> -> memref<12000xf32, #tpu.memory_space<vmem>>
    %dma_wait3A_31 = tpu.memref_slice %arg2[%mul3A_2] : memref<752640xf32, #tpu.memory_space<hbm>> -> memref<12000xf32, #tpu.memory_space<hbm>>
    %dma_wait3A_32 = arith.constant 0 : i32
    %dma_wait3A_33 = tpu.memref_slice %arg5[%dma_wait3A_32] : memref<23520xf32, #tpu.memory_space<vmem>> -> memref<12000xf32, #tpu.memory_space<vmem>>
    %dma_wait3A_34 = tpu.memref_slice %arg2[%mul3A_2] : memref<752640xf32, #tpu.memory_space<hbm>> -> memref<12000xf32, #tpu.memory_space<hbm>>
    tpu.wait_dma2 semaphore(%arg8 : memref<!tpu.dma_semaphore, #tpu.memory_space<semaphore_mem>>) src(%dma_wait3A_34 : memref<12000xf32, #tpu.memory_space<hbm>>) dst(%dma_wait3A_33 : memref<12000xf32, #tpu.memory_space<vmem>>)
    %dma_wait3A_35 = arith.constant 0 : i32
    %dma_wait3A_36 = tpu.memref_slice %arg6[%dma_wait3A_35] : memref<23520xf32, #tpu.memory_space<vmem>> -> memref<12000xf32, #tpu.memory_space<vmem>>
    %dma_wait3A_37 = tpu.memref_slice %arg3[%mul3A_2] : memref<752640xf32, #tpu.memory_space<hbm>> -> memref<12000xf32, #tpu.memory_space<hbm>>
    %dma_wait3A_38 = arith.constant 0 : i32
    %dma_wait3A_39 = tpu.memref_slice %arg6[%dma_wait3A_38] : memref<23520xf32, #tpu.memory_space<vmem>> -> memref<12000xf32, #tpu.memory_space<vmem>>
    %dma_wait3A_40 = tpu.memref_slice %arg3[%mul3A_2] : memref<752640xf32, #tpu.memory_space<hbm>> -> memref<12000xf32, #tpu.memory_space<hbm>>
    tpu.wait_dma2 semaphore(%arg9 : memref<!tpu.dma_semaphore, #tpu.memory_space<semaphore_mem>>) src(%dma_wait3A_40 : memref<12000xf32, #tpu.memory_space<hbm>>) dst(%dma_wait3A_39 : memref<12000xf32, #tpu.memory_space<vmem>>)
    %iota3A = tpu.iota {dimensions = array<i32: 0>} : vector<16xi32>
    %mul3A_41 = arith.constant 30 : i32
    %mul3A_42 = vector.broadcast %mul3A_41 : i32 to vector<16xi32>
    %mul3A_43 = arith.muli %iota3A, %mul3A_42 : vector<16xi32>
    %broadcast_in_dim3A = arith.constant 0.000000e+00 : f32
    %broadcast_in_dim3A_44 = vector.broadcast %broadcast_in_dim3A : f32 to vector<16xf32>
    %scan3A = arith.constant 0 : i32
    %scan3A_45 = arith.constant 49 : i32
    %scan3A_46 = arith.addi %scan3A, %scan3A_45 : i32
    %scan3A_47 = arith.constant 1 : i32
    %scan3A_48 = scf.for %scan3A_54 = %scan3A to %scan3A_46 step %scan3A_47 iter_args(%scan3A_55 = %broadcast_in_dim3A_44) -> (vector<16xf32>)  : i32 {
      %eq3A = arith.constant 25 : i32
      %eq3A_56 = arith.cmpi eq, %scan3A_54, %eq3A : i32
      %convert_element_type3A = arith.extui %eq3A_56 : i1 to i32
      %cond3A = arith.constant 0 : i32
      %cond3A_57 = arith.cmpi ne, %convert_element_type3A, %cond3A : i32
      scf.if %cond3A_57 {
        %dma_wait3A_475 = arith.constant 12000 : i32
        %dma_wait3A_476 = tpu.memref_slice %arg5[%dma_wait3A_475] : memref<23520xf32, #tpu.memory_space<vmem>> -> memref<11520xf32, #tpu.memory_space<vmem>>
        %dma_wait3A_477 = tpu.memref_slice %arg2[%add3A_15] : memref<752640xf32, #tpu.memory_space<hbm>> -> memref<11520xf32, #tpu.memory_space<hbm>>
        %dma_wait3A_478 = arith.constant 12000 : i32
        %dma_wait3A_479 = tpu.memref_slice %arg5[%dma_wait3A_478] : memref<23520xf32, #tpu.memory_space<vmem>> -> memref<11520xf32, #tpu.memory_space<vmem>>
        %dma_wait3A_480 = tpu.memref_slice %arg2[%add3A_15] : memref<752640xf32, #tpu.memory_space<hbm>> -> memref<11520xf32, #tpu.memory_space<hbm>>
        tpu.wait_dma2 semaphore(%arg10 : memref<!tpu.dma_semaphore, #tpu.memory_space<semaphore_mem>>) src(%dma_wait3A_480 : memref<11520xf32, #tpu.memory_space<hbm>>) dst(%dma_wait3A_479 : memref<11520xf32, #tpu.memory_space<vmem>>)
        %dma_wait3A_481 = arith.constant 12000 : i32
        %dma_wait3A_482 = tpu.memref_slice %arg6[%dma_wait3A_481] : memref<23520xf32, #tpu.memory_space<vmem>> -> memref<11520xf32, #tpu.memory_space<vmem>>
        %dma_wait3A_483 = tpu.memref_slice %arg3[%add3A_23] : memref<752640xf32, #tpu.memory_space<hbm>> -> memref<11520xf32, #tpu.memory_space<hbm>>
        %dma_wait3A_484 = arith.constant 12000 : i32
        %dma_wait3A_485 = tpu.memref_slice %arg6[%dma_wait3A_484] : memref<23520xf32, #tpu.memory_space<vmem>> -> memref<11520xf32, #tpu.memory_space<vmem>>
        %dma_wait3A_486 = tpu.memref_slice %arg3[%add3A_23] : memref<752640xf32, #tpu.memory_space<hbm>> -> memref<11520xf32, #tpu.memory_space<hbm>>
        tpu.wait_dma2 semaphore(%arg11 : memref<!tpu.dma_semaphore, #tpu.memory_space<semaphore_mem>>) src(%dma_wait3A_486 : memref<11520xf32, #tpu.memory_space<hbm>>) dst(%dma_wait3A_485 : memref<11520xf32, #tpu.memory_space<vmem>>)
      } else {
      }
      %mul3A_58 = arith.constant 480 : i32
      %mul3A_59 = arith.muli %scan3A_54, %mul3A_58 : i32
      %add3A_60 = vector.broadcast %mul3A_59 : i32 to vector<16xi32>
      %add3A_61 = arith.addi %mul3A_43, %add3A_60 : vector<16xi32>
      %add3A_62 = arith.constant 0 : i32
      %add3A_63 = vector.broadcast %add3A_62 : i32 to vector<16xi32>
      %add3A_64 = arith.addi %add3A_61, %add3A_63 : vector<16xi32>
      %gather3A = tpu.vector_load_idx %arg6[%add3A_64] : memref<23520xf32, #tpu.memory_space<vmem>>[vector<16xi32>], vector<16xf32>,
      %add3A_65 = arith.constant 1 : i32
      %add3A_66 = vector.broadcast %add3A_65 : i32 to vector<16xi32>
      %add3A_67 = arith.addi %add3A_61, %add3A_66 : vector<16xi32>
      %gather3A_68 = tpu.vector_load_idx %arg6[%add3A_67] : memref<23520xf32, #tpu.memory_space<vmem>>[vector<16xi32>], vector<16xf32>,
      %add3A_69 = arith.constant 2 : i32
      %add3A_70 = vector.broadcast %add3A_69 : i32 to vector<16xi32>
      %add3A_71 = arith.addi %add3A_61, %add3A_70 : vector<16xi32>
      %gather3A_72 = tpu.vector_load_idx %arg6[%add3A_71] : memref<23520xf32, #tpu.memory_space<vmem>>[vector<16xi32>], vector<16xf32>,
      %add3A_73 = arith.constant 3 : i32
      %add3A_74 = vector.broadcast %add3A_73 : i32 to vector<16xi32>
      %add3A_75 = arith.addi %add3A_61, %add3A_74 : vector<16xi32>
      %gather3A_76 = tpu.vector_load_idx %arg6[%add3A_75] : memref<23520xf32, #tpu.memory_space<vmem>>[vector<16xi32>], vector<16xf32>,
      %mul3A_77 = arith.constant 0.0714285746 : f32
      %mul3A_78 = vector.broadcast %mul3A_77 : f32 to vector<16xf32>
      %mul3A_79 = arith.mulf %gather3A, %mul3A_78 : vector<16xf32>
      %mul3A_80 = arith.constant 0.0714285746 : f32
      %mul3A_81 = vector.broadcast %mul3A_80 : f32 to vector<16xf32>
      %mul3A_82 = arith.mulf %gather3A_68, %mul3A_81 : vector<16xf32>
      %mul3A_83 = arith.constant 5.000000e-01 : f32
      %mul3A_84 = vector.broadcast %mul3A_83 : f32 to vector<16xf32>
      %mul3A_85 = arith.mulf %mul3A_84, %gather3A_72 : vector<16xf32>
      %sub3A = arith.subf %mul3A_79, %mul3A_85 : vector<16xf32>
      %mul3A_86 = arith.constant 5.000000e-01 : f32
      %mul3A_87 = vector.broadcast %mul3A_86 : f32 to vector<16xf32>
      %mul3A_88 = arith.mulf %mul3A_87, %gather3A_76 : vector<16xf32>
      %sub3A_89 = arith.subf %mul3A_82, %mul3A_88 : vector<16xf32>
      %mul3A_90 = arith.constant 5.000000e-01 : f32
      %mul3A_91 = vector.broadcast %mul3A_90 : f32 to vector<16xf32>
      %mul3A_92 = arith.mulf %mul3A_91, %gather3A_72 : vector<16xf32>
      %add3A_93 = arith.addf %mul3A_79, %mul3A_92 : vector<16xf32>
      %mul3A_94 = arith.constant 5.000000e-01 : f32
      %mul3A_95 = vector.broadcast %mul3A_94 : f32 to vector<16xf32>
      %mul3A_96 = arith.mulf %mul3A_95, %gather3A_76 : vector<16xf32>
      %add3A_97 = arith.addf %mul3A_82, %mul3A_96 : vector<16xf32>
      %mul3A_98 = arith.mulf %gather3A_72, %gather3A_76 : vector<16xf32>
      %gather3A_99 = tpu.vector_load_idx %arg5[%add3A_64] : memref<23520xf32, #tpu.memory_space<vmem>>[vector<16xi32>], vector<16xf32>,
      %gather3A_100 = tpu.vector_load_idx %arg5[%add3A_67] : memref<23520xf32, #tpu.memory_space<vmem>>[vector<16xi32>], vector<16xf32>,
      %gather3A_101 = tpu.vector_load_idx %arg5[%add3A_71] : memref<23520xf32, #tpu.memory_space<vmem>>[vector<16xi32>], vector<16xf32>,
      %gather3A_102 = tpu.vector_load_idx %arg5[%add3A_75] : memref<23520xf32, #tpu.memory_space<vmem>>[vector<16xi32>], vector<16xf32>,
      %add3A_103 = arith.constant 4 : i32
      %add3A_104 = vector.broadcast %add3A_103 : i32 to vector<16xi32>
      %add3A_105 = arith.addi %add3A_61, %add3A_104 : vector<16xi32>
      %gather3A_106 = tpu.vector_load_idx %arg5[%add3A_105] : memref<23520xf32, #tpu.memory_space<vmem>>[vector<16xi32>], vector<16xf32>,
      %add3A_107 = arith.constant 5 : i32
      %add3A_108 = vector.broadcast %add3A_107 : i32 to vector<16xi32>
      %add3A_109 = arith.addi %add3A_61, %add3A_108 : vector<16xi32>
      %gather3A_110 = tpu.vector_load_idx %arg5[%add3A_109] : memref<23520xf32, #tpu.memory_space<vmem>>[vector<16xi32>], vector<16xf32>,
      %add3A_111 = arith.constant 6 : i32
      %add3A_112 = vector.broadcast %add3A_111 : i32 to vector<16xi32>
      %add3A_113 = arith.addi %add3A_61, %add3A_112 : vector<16xi32>
      %gather3A_114 = tpu.vector_load_idx %arg5[%add3A_113] : memref<23520xf32, #tpu.memory_space<vmem>>[vector<16xi32>], vector<16xf32>,
      %add3A_115 = arith.constant 7 : i32
      %add3A_116 = vector.broadcast %add3A_115 : i32 to vector<16xi32>
      %add3A_117 = arith.addi %add3A_61, %add3A_116 : vector<16xi32>
      %gather3A_118 = tpu.vector_load_idx %arg5[%add3A_117] : memref<23520xf32, #tpu.memory_space<vmem>>[vector<16xi32>], vector<16xf32>,
      %add3A_119 = arith.constant 8 : i32
      %add3A_120 = vector.broadcast %add3A_119 : i32 to vector<16xi32>
      %add3A_121 = arith.addi %add3A_61, %add3A_120 : vector<16xi32>
      %gather3A_122 = tpu.vector_load_idx %arg5[%add3A_121] : memref<23520xf32, #tpu.memory_space<vmem>>[vector<16xi32>], vector<16xf32>,
      %add3A_123 = arith.constant 9 : i32
      %add3A_124 = vector.broadcast %add3A_123 : i32 to vector<16xi32>
      %add3A_125 = arith.addi %add3A_61, %add3A_124 : vector<16xi32>
      %gather3A_126 = tpu.vector_load_idx %arg5[%add3A_125] : memref<23520xf32, #tpu.memory_space<vmem>>[vector<16xi32>], vector<16xf32>,
      %mul3A_127 = arith.constant 0.0714285746 : f32
      %mul3A_128 = vector.broadcast %mul3A_127 : f32 to vector<16xf32>
      %mul3A_129 = arith.mulf %gather3A_99, %mul3A_128 : vector<16xf32>
      %mul3A_130 = arith.constant 0.0714285746 : f32
      %mul3A_131 = vector.broadcast %mul3A_130 : f32 to vector<16xf32>
      %mul3A_132 = arith.mulf %gather3A_100, %mul3A_131 : vector<16xf32>
      %mul3A_133 = arith.constant 5.000000e-01 : f32
      %mul3A_134 = vector.broadcast %mul3A_133 : f32 to vector<16xf32>
      %mul3A_135 = arith.mulf %mul3A_134, %gather3A_101 : vector<16xf32>
      %sub3A_136 = arith.subf %mul3A_129, %mul3A_135 : vector<16xf32>
      %mul3A_137 = arith.constant 5.000000e-01 : f32
      %mul3A_138 = vector.broadcast %mul3A_137 : f32 to vector<16xf32>
      %mul3A_139 = arith.mulf %mul3A_138, %gather3A_102 : vector<16xf32>
      %sub3A_140 = arith.subf %mul3A_132, %mul3A_139 : vector<16xf32>
      %mul3A_141 = arith.constant 5.000000e-01 : f32
      %mul3A_142 = vector.broadcast %mul3A_141 : f32 to vector<16xf32>
      %mul3A_143 = arith.mulf %mul3A_142, %gather3A_101 : vector<16xf32>
      %add3A_144 = arith.addf %mul3A_129, %mul3A_143 : vector<16xf32>
      %mul3A_145 = arith.constant 5.000000e-01 : f32
      %mul3A_146 = vector.broadcast %mul3A_145 : f32 to vector<16xf32>
      %mul3A_147 = arith.mulf %mul3A_146, %gather3A_102 : vector<16xf32>
      %add3A_148 = arith.addf %mul3A_132, %mul3A_147 : vector<16xf32>
      %min3A = arith.minimumf %add3A_144, %add3A_93 : vector<16xf32>
      %max3A = arith.maximumf %sub3A_136, %sub3A : vector<16xf32>
      %sub3A_149 = arith.subf %min3A, %max3A : vector<16xf32>
      %max3A_150 = arith.constant 0.000000e+00 : f32
      %max3A_151 = vector.broadcast %max3A_150 : f32 to vector<16xf32>
      %max3A_152 = arith.maximumf %sub3A_149, %max3A_151 : vector<16xf32>
      %min3A_153 = arith.minimumf %add3A_148, %add3A_97 : vector<16xf32>
      %max3A_154 = arith.maximumf %sub3A_140, %sub3A_89 : vector<16xf32>
      %sub3A_155 = arith.subf %min3A_153, %max3A_154 : vector<16xf32>
      %max3A_156 = arith.constant 0.000000e+00 : f32
      %max3A_157 = vector.broadcast %max3A_156 : f32 to vector<16xf32>
      %max3A_158 = arith.maximumf %sub3A_155, %max3A_157 : vector<16xf32>
      %mul3A_159 = arith.mulf %max3A_152, %max3A_158 : vector<16xf32>
      %mul3A_160 = arith.mulf %gather3A_101, %gather3A_102 : vector<16xf32>
      %add3A_161 = arith.addf %mul3A_160, %mul3A_98 : vector<16xf32>
      %sub3A_162 = arith.subf %add3A_161, %mul3A_159 : vector<16xf32>
      %div3A = arith.divf %mul3A_159, %sub3A_162 : vector<16xf32>
      %mul3A_163 = arith.constant 0.0714285746 : f32
      %mul3A_164 = vector.broadcast %mul3A_163 : f32 to vector<16xf32>
      %mul3A_165 = arith.mulf %gather3A_110, %mul3A_164 : vector<16xf32>
      %mul3A_166 = arith.constant 0.0714285746 : f32
      %mul3A_167 = vector.broadcast %mul3A_166 : f32 to vector<16xf32>
      %mul3A_168 = arith.mulf %gather3A_114, %mul3A_167 : vector<16xf32>
      %mul3A_169 = arith.constant 5.000000e-01 : f32
      %mul3A_170 = vector.broadcast %mul3A_169 : f32 to vector<16xf32>
      %mul3A_171 = arith.mulf %mul3A_170, %gather3A_118 : vector<16xf32>
      %sub3A_172 = arith.subf %mul3A_165, %mul3A_171 : vector<16xf32>
      %mul3A_173 = arith.constant 5.000000e-01 : f32
      %mul3A_174 = vector.broadcast %mul3A_173 : f32 to vector<16xf32>
      %mul3A_175 = arith.mulf %mul3A_174, %gather3A_122 : vector<16xf32>
      %sub3A_176 = arith.subf %mul3A_168, %mul3A_175 : vector<16xf32>
      %mul3A_177 = arith.constant 5.000000e-01 : f32
      %mul3A_178 = vector.broadcast %mul3A_177 : f32 to vector<16xf32>
      %mul3A_179 = arith.mulf %mul3A_178, %gather3A_118 : vector<16xf32>
      %add3A_180 = arith.addf %mul3A_165, %mul3A_179 : vector<16xf32>
      %mul3A_181 = arith.constant 5.000000e-01 : f32
      %mul3A_182 = vector.broadcast %mul3A_181 : f32 to vector<16xf32>
      %mul3A_183 = arith.mulf %mul3A_182, %gather3A_122 : vector<16xf32>
      %add3A_184 = arith.addf %mul3A_168, %mul3A_183 : vector<16xf32>
      %min3A_185 = arith.minimumf %add3A_180, %add3A_93 : vector<16xf32>
      %max3A_186 = arith.maximumf %sub3A_172, %sub3A : vector<16xf32>
      %sub3A_187 = arith.subf %min3A_185, %max3A_186 : vector<16xf32>
      %max3A_188 = arith.constant 0.000000e+00 : f32
      %max3A_189 = vector.broadcast %max3A_188 : f32 to vector<16xf32>
      %max3A_190 = arith.maximumf %sub3A_187, %max3A_189 : vector<16xf32>
      %min3A_191 = arith.minimumf %add3A_184, %add3A_97 : vector<16xf32>
      %max3A_192 = arith.maximumf %sub3A_176, %sub3A_89 : vector<16xf32>
      %sub3A_193 = arith.subf %min3A_191, %max3A_192 : vector<16xf32>
      %max3A_194 = arith.constant 0.000000e+00 : f32
      %max3A_195 = vector.broadcast %max3A_194 : f32 to vector<16xf32>
      %max3A_196 = arith.maximumf %sub3A_193, %max3A_195 : vector<16xf32>
      %mul3A_197 = arith.mulf %max3A_190, %max3A_196 : vector<16xf32>
      %mul3A_198 = arith.mulf %gather3A_118, %gather3A_122 : vector<16xf32>
      %add3A_199 = arith.addf %mul3A_198, %mul3A_98 : vector<16xf32>
      %sub3A_200 = arith.subf %add3A_199, %mul3A_197 : vector<16xf32>
      %div3A_201 = arith.divf %mul3A_197, %sub3A_200 : vector<16xf32>
      %ge3A = arith.cmpf oge, %div3A, %div3A_201 : vector<16xf32>
      %max3A_202 = arith.maximumf %div3A, %div3A_201 : vector<16xf32>
      %select_n3A = arith.select %ge3A, %gather3A_99, %gather3A_110 : vector<16xi1>, vector<16xf32>
      %select_n3A_203 = arith.select %ge3A, %gather3A_100, %gather3A_114 : vector<16xi1>, vector<16xf32>
      %select_n3A_204 = arith.select %ge3A, %gather3A_101, %gather3A_118 : vector<16xi1>, vector<16xf32>
      %select_n3A_205 = arith.select %ge3A, %gather3A_102, %gather3A_122 : vector<16xi1>, vector<16xf32>
      %select_n3A_206 = arith.select %ge3A, %gather3A_106, %gather3A_126 : vector<16xi1>, vector<16xf32>
      %select_n3A_207 = arith.select %ge3A, %gather3A_126, %gather3A_106 : vector<16xi1>, vector<16xf32>
      %gather3A_208 = tpu.vector_load_idx %arg6[%add3A_109] : memref<23520xf32, #tpu.memory_space<vmem>>[vector<16xi32>], vector<16xf32>,
      %gather3A_209 = tpu.vector_load_idx %arg6[%add3A_113] : memref<23520xf32, #tpu.memory_space<vmem>>[vector<16xi32>], vector<16xf32>,
      %gather3A_210 = tpu.vector_load_idx %arg6[%add3A_117] : memref<23520xf32, #tpu.memory_space<vmem>>[vector<16xi32>], vector<16xf32>,
      %gather3A_211 = tpu.vector_load_idx %arg6[%add3A_121] : memref<23520xf32, #tpu.memory_space<vmem>>[vector<16xi32>], vector<16xf32>,
      %select_n3A_212 = arith.select %ge3A, %gather3A, %gather3A_208 : vector<16xi1>, vector<16xf32>
      %select_n3A_213 = arith.select %ge3A, %gather3A_68, %gather3A_209 : vector<16xi1>, vector<16xf32>
      %select_n3A_214 = arith.select %ge3A, %gather3A_72, %gather3A_210 : vector<16xi1>, vector<16xf32>
      %select_n3A_215 = arith.select %ge3A, %gather3A_76, %gather3A_211 : vector<16xi1>, vector<16xf32>
      %sub3A_216 = arith.subf %select_n3A_206, %max3A_202 : vector<16xf32>
      %mul3A_217 = arith.mulf %sub3A_216, %sub3A_216 : vector<16xf32>
      %sub3A_218 = arith.subf %select_n3A, %select_n3A_212 : vector<16xf32>
      %mul3A_219 = arith.mulf %sub3A_218, %sub3A_218 : vector<16xf32>
      %sub3A_220 = arith.subf %select_n3A_203, %select_n3A_213 : vector<16xf32>
      %mul3A_221 = arith.mulf %sub3A_220, %sub3A_220 : vector<16xf32>
      %add3A_222 = arith.addf %mul3A_219, %mul3A_221 : vector<16xf32>
      %add3A_223 = arith.addf %add3A_222, %select_n3A_204 : vector<16xf32>
      %add3A_224 = arith.addf %add3A_223, %select_n3A_214 : vector<16xf32>
      %mul3A_225 = arith.mulf %select_n3A_204, %select_n3A_214 : vector<16xf32>
      %bitcast_convert_type3A = tpu.bitcast %mul3A_225 : vector<16xf32> -> vector<16xi32>
      %shift_right_arithmetic3A = arith.constant 1 : i32
      %shift_right_arithmetic3A_226 = vector.broadcast %shift_right_arithmetic3A : i32 to vector<16xi32>
      %shift_right_arithmetic3A_227 = arith.shrsi %bitcast_convert_type3A, %shift_right_arithmetic3A_226 : vector<16xi32>
      %sub3A_228 = arith.constant 1597463007 : i32
      %sub3A_229 = vector.broadcast %sub3A_228 : i32 to vector<16xi32>
      %sub3A_230 = arith.subi %sub3A_229, %shift_right_arithmetic3A_227 : vector<16xi32>
      %bitcast_convert_type3A_231 = tpu.bitcast %sub3A_230 : vector<16xi32> -> vector<16xf32>
      %mul3A_232 = arith.constant 5.000000e-01 : f32
      %mul3A_233 = vector.broadcast %mul3A_232 : f32 to vector<16xf32>
      %mul3A_234 = arith.mulf %mul3A_233, %mul3A_225 : vector<16xf32>
      %mul3A_235 = arith.mulf %mul3A_234, %bitcast_convert_type3A_231 : vector<16xf32>
      %mul3A_236 = arith.mulf %mul3A_235, %bitcast_convert_type3A_231 : vector<16xf32>
      %sub3A_237 = arith.constant 1.500000e+00 : f32
      %sub3A_238 = vector.broadcast %sub3A_237 : f32 to vector<16xf32>
      %sub3A_239 = arith.subf %sub3A_238, %mul3A_236 : vector<16xf32>
      %mul3A_240 = arith.mulf %bitcast_convert_type3A_231, %sub3A_239 : vector<16xf32>
      %mul3A_241 = arith.constant 5.000000e-01 : f32
      %mul3A_242 = vector.broadcast %mul3A_241 : f32 to vector<16xf32>
      %mul3A_243 = arith.mulf %mul3A_242, %mul3A_225 : vector<16xf32>
      %mul3A_244 = arith.mulf %mul3A_243, %mul3A_240 : vector<16xf32>
      %mul3A_245 = arith.mulf %mul3A_244, %mul3A_240 : vector<16xf32>
      %sub3A_246 = arith.constant 1.500000e+00 : f32
      %sub3A_247 = vector.broadcast %sub3A_246 : f32 to vector<16xf32>
      %sub3A_248 = arith.subf %sub3A_247, %mul3A_245 : vector<16xf32>
      %mul3A_249 = arith.mulf %mul3A_240, %sub3A_248 : vector<16xf32>
      %mul3A_250 = arith.mulf %mul3A_225, %mul3A_249 : vector<16xf32>
      %mul3A_251 = arith.constant 2.000000e+00 : f32
      %mul3A_252 = vector.broadcast %mul3A_251 : f32 to vector<16xf32>
      %mul3A_253 = arith.mulf %mul3A_252, %mul3A_250 : vector<16xf32>
      %sub3A_254 = arith.subf %add3A_224, %mul3A_253 : vector<16xf32>
      %add3A_255 = arith.addf %sub3A_254, %select_n3A_205 : vector<16xf32>
      %add3A_256 = arith.addf %add3A_255, %select_n3A_215 : vector<16xf32>
      %mul3A_257 = arith.mulf %select_n3A_205, %select_n3A_215 : vector<16xf32>
      %bitcast_convert_type3A_258 = tpu.bitcast %mul3A_257 : vector<16xf32> -> vector<16xi32>
      %shift_right_arithmetic3A_259 = arith.constant 1 : i32
      %shift_right_arithmetic3A_260 = vector.broadcast %shift_right_arithmetic3A_259 : i32 to vector<16xi32>
      %shift_right_arithmetic3A_261 = arith.shrsi %bitcast_convert_type3A_258, %shift_right_arithmetic3A_260 : vector<16xi32>
      %sub3A_262 = arith.constant 1597463007 : i32
      %sub3A_263 = vector.broadcast %sub3A_262 : i32 to vector<16xi32>
      %sub3A_264 = arith.subi %sub3A_263, %shift_right_arithmetic3A_261 : vector<16xi32>
      %bitcast_convert_type3A_265 = tpu.bitcast %sub3A_264 : vector<16xi32> -> vector<16xf32>
      %mul3A_266 = arith.constant 5.000000e-01 : f32
      %mul3A_267 = vector.broadcast %mul3A_266 : f32 to vector<16xf32>
      %mul3A_268 = arith.mulf %mul3A_267, %mul3A_257 : vector<16xf32>
      %mul3A_269 = arith.mulf %mul3A_268, %bitcast_convert_type3A_265 : vector<16xf32>
      %mul3A_270 = arith.mulf %mul3A_269, %bitcast_convert_type3A_265 : vector<16xf32>
      %sub3A_271 = arith.constant 1.500000e+00 : f32
      %sub3A_272 = vector.broadcast %sub3A_271 : f32 to vector<16xf32>
      %sub3A_273 = arith.subf %sub3A_272, %mul3A_270 : vector<16xf32>
      %mul3A_274 = arith.mulf %bitcast_convert_type3A_265, %sub3A_273 : vector<16xf32>
      %mul3A_275 = arith.constant 5.000000e-01 : f32
      %mul3A_276 = vector.broadcast %mul3A_275 : f32 to vector<16xf32>
      %mul3A_277 = arith.mulf %mul3A_276, %mul3A_257 : vector<16xf32>
      %mul3A_278 = arith.mulf %mul3A_277, %mul3A_274 : vector<16xf32>
      %mul3A_279 = arith.mulf %mul3A_278, %mul3A_274 : vector<16xf32>
      %sub3A_280 = arith.constant 1.500000e+00 : f32
      %sub3A_281 = vector.broadcast %sub3A_280 : f32 to vector<16xf32>
      %sub3A_282 = arith.subf %sub3A_281, %mul3A_279 : vector<16xf32>
      %mul3A_283 = arith.mulf %mul3A_274, %sub3A_282 : vector<16xf32>
      %mul3A_284 = arith.mulf %mul3A_257, %mul3A_283 : vector<16xf32>
      %mul3A_285 = arith.constant 2.000000e+00 : f32
      %mul3A_286 = vector.broadcast %mul3A_285 : f32 to vector<16xf32>
      %mul3A_287 = arith.mulf %mul3A_286, %mul3A_284 : vector<16xf32>
      %sub3A_288 = arith.subf %add3A_256, %mul3A_287 : vector<16xf32>
      %broadcast_in_dim3A_289 = arith.constant 0.000000e+00 : f32
      %broadcast_in_dim3A_290 = vector.broadcast %broadcast_in_dim3A_289 : f32 to vector<16xf32>
      %add3A_291 = arith.constant 10 : i32
      %add3A_292 = vector.broadcast %add3A_291 : i32 to vector<16xi32>
      %add3A_293 = arith.addi %add3A_61, %add3A_292 : vector<16xi32>
      %gather3A_294 = tpu.vector_load_idx %arg5[%add3A_293] : memref<23520xf32, #tpu.memory_space<vmem>>[vector<16xi32>], vector<16xf32>,
      %gather3A_295 = tpu.vector_load_idx %arg6[%add3A_293] : memref<23520xf32, #tpu.memory_space<vmem>>[vector<16xi32>], vector<16xf32>,
      %sub3A_296 = arith.subf %gather3A_294, %gather3A_295 : vector<16xf32>
      %mul3A_297 = arith.mulf %sub3A_296, %sub3A_296 : vector<16xf32>
      %add3A_298 = arith.addf %broadcast_in_dim3A_290, %mul3A_297 : vector<16xf32>
      %add3A_299 = arith.constant 11 : i32
      %add3A_300 = vector.broadcast %add3A_299 : i32 to vector<16xi32>
      %add3A_301 = arith.addi %add3A_61, %add3A_300 : vector<16xi32>
      %gather3A_302 = tpu.vector_load_idx %arg5[%add3A_301] : memref<23520xf32, #tpu.memory_space<vmem>>[vector<16xi32>], vector<16xf32>,
      %gather3A_303 = tpu.vector_load_idx %arg6[%add3A_301] : memref<23520xf32, #tpu.memory_space<vmem>>[vector<16xi32>], vector<16xf32>,
      %sub3A_304 = arith.subf %gather3A_302, %gather3A_303 : vector<16xf32>
      %mul3A_305 = arith.mulf %sub3A_304, %sub3A_304 : vector<16xf32>
      %add3A_306 = arith.addf %add3A_298, %mul3A_305 : vector<16xf32>
      %add3A_307 = arith.constant 12 : i32
      %add3A_308 = vector.broadcast %add3A_307 : i32 to vector<16xi32>
      %add3A_309 = arith.addi %add3A_61, %add3A_308 : vector<16xi32>
      %gather3A_310 = tpu.vector_load_idx %arg5[%add3A_309] : memref<23520xf32, #tpu.memory_space<vmem>>[vector<16xi32>], vector<16xf32>,
      %gather3A_311 = tpu.vector_load_idx %arg6[%add3A_309] : memref<23520xf32, #tpu.memory_space<vmem>>[vector<16xi32>], vector<16xf32>,
      %sub3A_312 = arith.subf %gather3A_310, %gather3A_311 : vector<16xf32>
      %mul3A_313 = arith.mulf %sub3A_312, %sub3A_312 : vector<16xf32>
      %add3A_314 = arith.addf %add3A_306, %mul3A_313 : vector<16xf32>
      %add3A_315 = arith.constant 13 : i32
      %add3A_316 = vector.broadcast %add3A_315 : i32 to vector<16xi32>
      %add3A_317 = arith.addi %add3A_61, %add3A_316 : vector<16xi32>
      %gather3A_318 = tpu.vector_load_idx %arg5[%add3A_317] : memref<23520xf32, #tpu.memory_space<vmem>>[vector<16xi32>], vector<16xf32>,
      %gather3A_319 = tpu.vector_load_idx %arg6[%add3A_317] : memref<23520xf32, #tpu.memory_space<vmem>>[vector<16xi32>], vector<16xf32>,
      %sub3A_320 = arith.subf %gather3A_318, %gather3A_319 : vector<16xf32>
      %mul3A_321 = arith.mulf %sub3A_320, %sub3A_320 : vector<16xf32>
      %add3A_322 = arith.addf %add3A_314, %mul3A_321 : vector<16xf32>
      %add3A_323 = arith.constant 14 : i32
      %add3A_324 = vector.broadcast %add3A_323 : i32 to vector<16xi32>
      %add3A_325 = arith.addi %add3A_61, %add3A_324 : vector<16xi32>
      %gather3A_326 = tpu.vector_load_idx %arg5[%add3A_325] : memref<23520xf32, #tpu.memory_space<vmem>>[vector<16xi32>], vector<16xf32>,
      %gather3A_327 = tpu.vector_load_idx %arg6[%add3A_325] : memref<23520xf32, #tpu.memory_space<vmem>>[vector<16xi32>], vector<16xf32>,
      %sub3A_328 = arith.subf %gather3A_326, %gather3A_327 : vector<16xf32>
      %mul3A_329 = arith.mulf %sub3A_328, %sub3A_328 : vector<16xf32>
      %add3A_330 = arith.addf %add3A_322, %mul3A_329 : vector<16xf32>
      %add3A_331 = arith.constant 15 : i32
      %add3A_332 = vector.broadcast %add3A_331 : i32 to vector<16xi32>
      %add3A_333 = arith.addi %add3A_61, %add3A_332 : vector<16xi32>
      %gather3A_334 = tpu.vector_load_idx %arg5[%add3A_333] : memref<23520xf32, #tpu.memory_space<vmem>>[vector<16xi32>], vector<16xf32>,
      %gather3A_335 = tpu.vector_load_idx %arg6[%add3A_333] : memref<23520xf32, #tpu.memory_space<vmem>>[vector<16xi32>], vector<16xf32>,
      %sub3A_336 = arith.subf %gather3A_334, %gather3A_335 : vector<16xf32>
      %mul3A_337 = arith.mulf %sub3A_336, %sub3A_336 : vector<16xf32>
      %add3A_338 = arith.addf %add3A_330, %mul3A_337 : vector<16xf32>
      %add3A_339 = arith.constant 16 : i32
      %add3A_340 = vector.broadcast %add3A_339 : i32 to vector<16xi32>
      %add3A_341 = arith.addi %add3A_61, %add3A_340 : vector<16xi32>
      %gather3A_342 = tpu.vector_load_idx %arg5[%add3A_341] : memref<23520xf32, #tpu.memory_space<vmem>>[vector<16xi32>], vector<16xf32>,
      %gather3A_343 = tpu.vector_load_idx %arg6[%add3A_341] : memref<23520xf32, #tpu.memory_space<vmem>>[vector<16xi32>], vector<16xf32>,
      %sub3A_344 = arith.subf %gather3A_342, %gather3A_343 : vector<16xf32>
      %mul3A_345 = arith.mulf %sub3A_344, %sub3A_344 : vector<16xf32>
      %add3A_346 = arith.addf %add3A_338, %mul3A_345 : vector<16xf32>
      %add3A_347 = arith.constant 17 : i32
      %add3A_348 = vector.broadcast %add3A_347 : i32 to vector<16xi32>
      %add3A_349 = arith.addi %add3A_61, %add3A_348 : vector<16xi32>
      %gather3A_350 = tpu.vector_load_idx %arg5[%add3A_349] : memref<23520xf32, #tpu.memory_space<vmem>>[vector<16xi32>], vector<16xf32>,
      %gather3A_351 = tpu.vector_load_idx %arg6[%add3A_349] : memref<23520xf32, #tpu.memory_space<vmem>>[vector<16xi32>], vector<16xf32>,
      %sub3A_352 = arith.subf %gather3A_350, %gather3A_351 : vector<16xf32>
      %mul3A_353 = arith.mulf %sub3A_352, %sub3A_352 : vector<16xf32>
      %add3A_354 = arith.addf %add3A_346, %mul3A_353 : vector<16xf32>
      %add3A_355 = arith.constant 18 : i32
      %add3A_356 = vector.broadcast %add3A_355 : i32 to vector<16xi32>
      %add3A_357 = arith.addi %add3A_61, %add3A_356 : vector<16xi32>
      %gather3A_358 = tpu.vector_load_idx %arg5[%add3A_357] : memref<23520xf32, #tpu.memory_space<vmem>>[vector<16xi32>], vector<16xf32>,
      %gather3A_359 = tpu.vector_load_idx %arg6[%add3A_357] : memref<23520xf32, #tpu.memory_space<vmem>>[vector<16xi32>], vector<16xf32>,
      %sub3A_360 = arith.subf %gather3A_358, %gather3A_359 : vector<16xf32>
      %mul3A_361 = arith.mulf %sub3A_360, %sub3A_360 : vector<16xf32>
      %add3A_362 = arith.addf %add3A_354, %mul3A_361 : vector<16xf32>
      %add3A_363 = arith.constant 19 : i32
      %add3A_364 = vector.broadcast %add3A_363 : i32 to vector<16xi32>
      %add3A_365 = arith.addi %add3A_61, %add3A_364 : vector<16xi32>
      %gather3A_366 = tpu.vector_load_idx %arg5[%add3A_365] : memref<23520xf32, #tpu.memory_space<vmem>>[vector<16xi32>], vector<16xf32>,
      %gather3A_367 = tpu.vector_load_idx %arg6[%add3A_365] : memref<23520xf32, #tpu.memory_space<vmem>>[vector<16xi32>], vector<16xf32>,
      %sub3A_368 = arith.subf %gather3A_366, %gather3A_367 : vector<16xf32>
      %mul3A_369 = arith.mulf %sub3A_368, %sub3A_368 : vector<16xf32>
      %add3A_370 = arith.addf %add3A_362, %mul3A_369 : vector<16xf32>
      %add3A_371 = arith.constant 20 : i32
      %add3A_372 = vector.broadcast %add3A_371 : i32 to vector<16xi32>
      %add3A_373 = arith.addi %add3A_61, %add3A_372 : vector<16xi32>
      %gather3A_374 = tpu.vector_load_idx %arg5[%add3A_373] : memref<23520xf32, #tpu.memory_space<vmem>>[vector<16xi32>], vector<16xf32>,
      %gather3A_375 = tpu.vector_load_idx %arg6[%add3A_373] : memref<23520xf32, #tpu.memory_space<vmem>>[vector<16xi32>], vector<16xf32>,
      %sub3A_376 = arith.subf %gather3A_374, %gather3A_375 : vector<16xf32>
      %mul3A_377 = arith.mulf %sub3A_376, %sub3A_376 : vector<16xf32>
      %add3A_378 = arith.addf %add3A_370, %mul3A_377 : vector<16xf32>
      %add3A_379 = arith.constant 21 : i32
      %add3A_380 = vector.broadcast %add3A_379 : i32 to vector<16xi32>
      %add3A_381 = arith.addi %add3A_61, %add3A_380 : vector<16xi32>
      %gather3A_382 = tpu.vector_load_idx %arg5[%add3A_381] : memref<23520xf32, #tpu.memory_space<vmem>>[vector<16xi32>], vector<16xf32>,
      %gather3A_383 = tpu.vector_load_idx %arg6[%add3A_381] : memref<23520xf32, #tpu.memory_space<vmem>>[vector<16xi32>], vector<16xf32>,
      %sub3A_384 = arith.subf %gather3A_382, %gather3A_383 : vector<16xf32>
      %mul3A_385 = arith.mulf %sub3A_384, %sub3A_384 : vector<16xf32>
      %add3A_386 = arith.addf %add3A_378, %mul3A_385 : vector<16xf32>
      %add3A_387 = arith.constant 22 : i32
      %add3A_388 = vector.broadcast %add3A_387 : i32 to vector<16xi32>
      %add3A_389 = arith.addi %add3A_61, %add3A_388 : vector<16xi32>
      %gather3A_390 = tpu.vector_load_idx %arg5[%add3A_389] : memref<23520xf32, #tpu.memory_space<vmem>>[vector<16xi32>], vector<16xf32>,
      %gather3A_391 = tpu.vector_load_idx %arg6[%add3A_389] : memref<23520xf32, #tpu.memory_space<vmem>>[vector<16xi32>], vector<16xf32>,
      %sub3A_392 = arith.subf %gather3A_390, %gather3A_391 : vector<16xf32>
      %mul3A_393 = arith.mulf %sub3A_392, %sub3A_392 : vector<16xf32>
      %add3A_394 = arith.addf %add3A_386, %mul3A_393 : vector<16xf32>
      %add3A_395 = arith.constant 23 : i32
      %add3A_396 = vector.broadcast %add3A_395 : i32 to vector<16xi32>
      %add3A_397 = arith.addi %add3A_61, %add3A_396 : vector<16xi32>
      %gather3A_398 = tpu.vector_load_idx %arg5[%add3A_397] : memref<23520xf32, #tpu.memory_space<vmem>>[vector<16xi32>], vector<16xf32>,
      %gather3A_399 = tpu.vector_load_idx %arg6[%add3A_397] : memref<23520xf32, #tpu.memory_space<vmem>>[vector<16xi32>], vector<16xf32>,
      %sub3A_400 = arith.subf %gather3A_398, %gather3A_399 : vector<16xf32>
      %mul3A_401 = arith.mulf %sub3A_400, %sub3A_400 : vector<16xf32>
      %add3A_402 = arith.addf %add3A_394, %mul3A_401 : vector<16xf32>
      %add3A_403 = arith.constant 24 : i32
      %add3A_404 = vector.broadcast %add3A_403 : i32 to vector<16xi32>
      %add3A_405 = arith.addi %add3A_61, %add3A_404 : vector<16xi32>
      %gather3A_406 = tpu.vector_load_idx %arg5[%add3A_405] : memref<23520xf32, #tpu.memory_space<vmem>>[vector<16xi32>], vector<16xf32>,
      %gather3A_407 = tpu.vector_load_idx %arg6[%add3A_405] : memref<23520xf32, #tpu.memory_space<vmem>>[vector<16xi32>], vector<16xf32>,
      %sub3A_408 = arith.subf %gather3A_406, %gather3A_407 : vector<16xf32>
      %mul3A_409 = arith.mulf %sub3A_408, %sub3A_408 : vector<16xf32>
      %add3A_410 = arith.addf %add3A_402, %mul3A_409 : vector<16xf32>
      %add3A_411 = arith.constant 25 : i32
      %add3A_412 = vector.broadcast %add3A_411 : i32 to vector<16xi32>
      %add3A_413 = arith.addi %add3A_61, %add3A_412 : vector<16xi32>
      %gather3A_414 = tpu.vector_load_idx %arg5[%add3A_413] : memref<23520xf32, #tpu.memory_space<vmem>>[vector<16xi32>], vector<16xf32>,
      %gather3A_415 = tpu.vector_load_idx %arg6[%add3A_413] : memref<23520xf32, #tpu.memory_space<vmem>>[vector<16xi32>], vector<16xf32>,
      %sub3A_416 = arith.subf %gather3A_414, %gather3A_415 : vector<16xf32>
      %mul3A_417 = arith.mulf %sub3A_416, %sub3A_416 : vector<16xf32>
      %add3A_418 = arith.addf %add3A_410, %mul3A_417 : vector<16xf32>
      %add3A_419 = arith.constant 26 : i32
      %add3A_420 = vector.broadcast %add3A_419 : i32 to vector<16xi32>
      %add3A_421 = arith.addi %add3A_61, %add3A_420 : vector<16xi32>
      %gather3A_422 = tpu.vector_load_idx %arg5[%add3A_421] : memref<23520xf32, #tpu.memory_space<vmem>>[vector<16xi32>], vector<16xf32>,
      %gather3A_423 = tpu.vector_load_idx %arg6[%add3A_421] : memref<23520xf32, #tpu.memory_space<vmem>>[vector<16xi32>], vector<16xf32>,
      %sub3A_424 = arith.subf %gather3A_422, %gather3A_423 : vector<16xf32>
      %mul3A_425 = arith.mulf %sub3A_424, %sub3A_424 : vector<16xf32>
      %add3A_426 = arith.addf %add3A_418, %mul3A_425 : vector<16xf32>
      %add3A_427 = arith.constant 27 : i32
      %add3A_428 = vector.broadcast %add3A_427 : i32 to vector<16xi32>
      %add3A_429 = arith.addi %add3A_61, %add3A_428 : vector<16xi32>
      %gather3A_430 = tpu.vector_load_idx %arg5[%add3A_429] : memref<23520xf32, #tpu.memory_space<vmem>>[vector<16xi32>], vector<16xf32>,
      %gather3A_431 = tpu.vector_load_idx %arg6[%add3A_429] : memref<23520xf32, #tpu.memory_space<vmem>>[vector<16xi32>], vector<16xf32>,
      %sub3A_432 = arith.subf %gather3A_430, %gather3A_431 : vector<16xf32>
      %mul3A_433 = arith.mulf %sub3A_432, %sub3A_432 : vector<16xf32>
      %add3A_434 = arith.addf %add3A_426, %mul3A_433 : vector<16xf32>
      %add3A_435 = arith.constant 28 : i32
      %add3A_436 = vector.broadcast %add3A_435 : i32 to vector<16xi32>
      %add3A_437 = arith.addi %add3A_61, %add3A_436 : vector<16xi32>
      %gather3A_438 = tpu.vector_load_idx %arg5[%add3A_437] : memref<23520xf32, #tpu.memory_space<vmem>>[vector<16xi32>], vector<16xf32>,
      %gather3A_439 = tpu.vector_load_idx %arg6[%add3A_437] : memref<23520xf32, #tpu.memory_space<vmem>>[vector<16xi32>], vector<16xf32>,
      %sub3A_440 = arith.subf %gather3A_438, %gather3A_439 : vector<16xf32>
      %mul3A_441 = arith.mulf %sub3A_440, %sub3A_440 : vector<16xf32>
      %add3A_442 = arith.addf %add3A_434, %mul3A_441 : vector<16xf32>
      %add3A_443 = arith.constant 29 : i32
      %add3A_444 = vector.broadcast %add3A_443 : i32 to vector<16xi32>
      %add3A_445 = arith.addi %add3A_61, %add3A_444 : vector<16xi32>
      %gather3A_446 = tpu.vector_load_idx %arg5[%add3A_445] : memref<23520xf32, #tpu.memory_space<vmem>>[vector<16xi32>], vector<16xf32>,
      %gather3A_447 = tpu.vector_load_idx %arg6[%add3A_445] : memref<23520xf32, #tpu.memory_space<vmem>>[vector<16xi32>], vector<16xf32>,
      %sub3A_448 = arith.subf %gather3A_446, %gather3A_447 : vector<16xf32>
      %mul3A_449 = arith.mulf %sub3A_448, %sub3A_448 : vector<16xf32>
      %add3A_450 = arith.addf %add3A_442, %mul3A_449 : vector<16xf32>
      %gather3A_451 = tpu.vector_load_idx %arg6[%add3A_105] : memref<23520xf32, #tpu.memory_space<vmem>>[vector<16xi32>], vector<16xf32>,
      %gather3A_452 = tpu.vector_load_idx %arg6[%add3A_125] : memref<23520xf32, #tpu.memory_space<vmem>>[vector<16xi32>], vector<16xf32>,
      %sub3A_453 = arith.subf %gather3A_106, %gather3A_451 : vector<16xf32>
      %mul3A_454 = arith.mulf %sub3A_453, %sub3A_453 : vector<16xf32>
      %sub3A_455 = arith.subf %gather3A_126, %gather3A_452 : vector<16xf32>
      %mul3A_456 = arith.mulf %sub3A_455, %sub3A_455 : vector<16xf32>
      %add3A_457 = arith.addf %mul3A_454, %mul3A_456 : vector<16xf32>
      %gt3A = arith.constant 0.000000e+00 : f32
      %gt3A_458 = vector.broadcast %gt3A : f32 to vector<16xf32>
      %gt3A_459 = arith.cmpf ogt, %gather3A_451, %gt3A_458 : vector<16xf32>
      %mul3A_460 = arith.constant 5.000000e+00 : f32
      %mul3A_461 = vector.broadcast %mul3A_460 : f32 to vector<16xf32>
      %mul3A_462 = arith.mulf %mul3A_461, %sub3A_288 : vector<16xf32>
      %mul3A_463 = arith.constant 2.000000e+00 : f32
      %mul3A_464 = vector.broadcast %mul3A_463 : f32 to vector<16xf32>
      %mul3A_465 = arith.mulf %mul3A_464, %mul3A_217 : vector<16xf32>
      %add3A_466 = arith.addf %mul3A_462, %mul3A_465 : vector<16xf32>
      %mul3A_467 = arith.mulf %select_n3A_207, %select_n3A_207 : vector<16xf32>
      %add3A_468 = arith.addf %add3A_466, %mul3A_467 : vector<16xf32>
      %add3A_469 = arith.addf %add3A_468, %add3A_450 : vector<16xf32>
      %mul3A_470 = arith.constant 5.000000e-01 : f32
      %mul3A_471 = vector.broadcast %mul3A_470 : f32 to vector<16xf32>
      %mul3A_472 = arith.mulf %mul3A_471, %add3A_457 : vector<16xf32>
      %select_n3A_473 = arith.select %gt3A_459, %add3A_469, %mul3A_472 : vector<16xi1>, vector<16xf32>
      %add3A_474 = arith.addf %scan3A_55, %select_n3A_473 : vector<16xf32>
      scf.yield %add3A_474 : vector<16xf32>
    }
    %scan3A_49 = arith.constant 49 : i32
    %mul3A_50 = arith.constant 7.812500e-03 : f32
    %mul3A_51 = vector.broadcast %mul3A_50 : f32 to vector<16xf32>
    %mul3A_52 = arith.mulf %scan3A_48, %mul3A_51 : vector<16xf32>
    %swap3A = arith.constant 0 : index
    %swap3A_53 = tpu.vector_load %arg7[%swap3A] {strides = array<i32>} : memref<16xf32, #tpu.memory_space<vmem>>, vector<16xf32>,
    tpu.vector_store %arg7[%swap3A], %mul3A_52 {strides = array<i32>} : memref<16xf32, #tpu.memory_space<vmem>>, vector<16xf32>,
    "tpu.region"() ({
      %run_scoped3A = tpu.sem_alloc : memref<!tpu.dma_semaphore, #tpu.memory_space<semaphore_mem>>
      %dma_start3A_54 = arith.constant 0 : i32
      %dma_start3A_55 = tpu.memref_slice %arg4[%add3A, %dma_start3A_54] : memref<32x16xf32, #tpu.memory_space<hbm>> -> memref<1x16xf32, #tpu.memory_space<hbm>>
      %dma_start3A_56 = tpu.memref_squeeze %dma_start3A_55 : memref<1x16xf32, #tpu.memory_space<hbm>> -> memref<16xf32, #tpu.memory_space<hbm>>
      %dma_start3A_57 = arith.constant 0 : i32
      %dma_start3A_58 = tpu.memref_slice %arg4[%add3A, %dma_start3A_57] : memref<32x16xf32, #tpu.memory_space<hbm>> -> memref<1x16xf32, #tpu.memory_space<hbm>>
      %dma_start3A_59 = tpu.memref_squeeze %dma_start3A_58 : memref<1x16xf32, #tpu.memory_space<hbm>> -> memref<16xf32, #tpu.memory_space<hbm>>
      tpu.enqueue_dma source(%arg7 : memref<16xf32, #tpu.memory_space<vmem>>) target(%dma_start3A_59 : memref<16xf32, #tpu.memory_space<hbm>>) target_semaphore(%run_scoped3A : memref<!tpu.dma_semaphore, #tpu.memory_space<semaphore_mem>>)
      %dma_wait3A_60 = arith.constant 0 : i32
      %dma_wait3A_61 = tpu.memref_slice %arg4[%add3A, %dma_wait3A_60] : memref<32x16xf32, #tpu.memory_space<hbm>> -> memref<1x16xf32, #tpu.memory_space<hbm>>
      %dma_wait3A_62 = tpu.memref_squeeze %dma_wait3A_61 : memref<1x16xf32, #tpu.memory_space<hbm>> -> memref<16xf32, #tpu.memory_space<hbm>>
      %dma_wait3A_63 = arith.constant 0 : i32
      %dma_wait3A_64 = tpu.memref_slice %arg4[%add3A, %dma_wait3A_63] : memref<32x16xf32, #tpu.memory_space<hbm>> -> memref<1x16xf32, #tpu.memory_space<hbm>>
      %dma_wait3A_65 = tpu.memref_squeeze %dma_wait3A_64 : memref<1x16xf32, #tpu.memory_space<hbm>> -> memref<16xf32, #tpu.memory_space<hbm>>
      tpu.wait_dma2 semaphore(%run_scoped3A : memref<!tpu.dma_semaphore, #tpu.memory_space<semaphore_mem>>) src(%arg7 : memref<16xf32, #tpu.memory_space<vmem>>) dst(%dma_wait3A_65 : memref<16xf32, #tpu.memory_space<hbm>>)
      tpu.yield
    }) : () -> ()
    return
  }
}

</mosaic_0001>

<sc_bundles>
// kernel: kernel.3.cloned.1.call-start
scs
__scs_entry_jumppad:
0x0: {  	(pc) =	sbr.rel $0x88, $3  }
0x1: {  	(tag) =	ssettag $0x0;
	lr =	simm.s32 $0x1  }
0x2: {  	[smem:$0x3F9F] =	sst lr;
	_ =	strace $0xD0000000  }
0x3: {  	_ = 	snop  }
0x4: {  	_ = 	snop  }
0x5: {  	_ = 	snop  }
0x6: {  	_ = 	snop  }
0x7: {  	_ = 	snop  }
__scs_overlays_trampoline_lowered:
0x8: {  	[smem:$0x3FAE] =	sst s0  }
0x9: {  	[smem:$0x3FAF] =	sst s1  }
0xa: {  	[smem:$0x3FB0] =	sst s2  }
0xb: {  	[smem:$0x3FB1] =	sst s3  }
0xc: {  	[smem:$0x3FB2] =	sst s4  }
0xd: {  	[smem:$0x3FB3] =	sst s5  }
0xe: {  	[smem:$0x3FB4] =	sst s6  }
0xf: {  	[smem:$0x3FB5] =	sst s7  }
0x10: {  	[smem:$0x3FB6] =	sst s8  }
0x11: {  	[smem:$0x3FB7] =	sst s9;
	s0 =	simm.s32 @!p0 $0x0  }
0x12: {  	s1 =	sld [smem:$0x3F9D];
	s0 =	simm.s32 @p0 $0x1  }
0x13: {  	[smem:$0x3FB8] =	sst s0;
	s0 =	simm.s32 @!p1 $0x0  }
0x14: {  	s2 =	sld [smem:$0x3F9C];
	s0 =	simm.s32 @p1 $0x1  }
0x15: {  	[smem:$0x3FB9] =	sst s0;
	s0 =	simm.s32 @!p2 $0x0  }
0x16: {  	s3 =	sld [smem:$0x3FDB];
	s0 =	simm.s32 @p2 $0x1  }
0x17: {  	s4 =	simm.s32 $0x1BF5;
	[smem:$0x3FBB] =	sst s0  }
0x18: {  	s0 =	sld [smem:$0x3F9E];
	_ =	swait.ge [sflag:s4], $0x0  }
0x19: {  	s7 =	sld [smem:$0x3F9F]  }
0x1a: {  	s8 =	sadd.s32 $0xFFFFE003, lr  }
0x1b: {  	s9 =	sadd.s32 $0xFFFFFEF7, lr;
	s5 =	simm.s32 $0xFFFFFFFF;
	p2 =	slt.u32 s8, $0xFFFFF086  }
0x1c: {  	p1 =	slt.u32 s9, $0xF7A;
	s5 =	simm.s32 @!p2 $0x0  }
0x1d: {  	s5 =	simm.s32 @p1 $0x1;
	p0 =	seq.s32 s7, s2  }
0x1e: {  	s7 =	smul.u32 @!p0 $0xF7A, s2;
	p2 =	seq.s32 @!p0 s5, $0x0  }
0x1f: {  	s9 =	smul.u32 $0xF7A, s1;
	s8 =	simm.s32 @!p0 $0x1BF5;
	p2 =	por !p2, p0  }
0x20: {  	[sflag:s8] =	ssyncset.s32 @!p0 $0xFFFFF086;
	s6 =	sadd.s32 @!p0 s3, s7;
	s7 =	simm.s32 @!p0 $0x108  }
0x21: {  	s3 =	sadd.s32 s3, s9;
	s6 =	sadd.s32 @!p0 $0x88, s6;
	s7 =	simm.s32 @p2 $0x1082  }
0x22: {  	[simem:s7], [sflag:s8] =	dma.local @!p0 [hbm:s6], $0xF7A  }
0x23: {  	s9 =	sor.u32 $0xD0000000, s2;
	s6 =	simm.s32 $0x108;
	_ =	swait.ge @!p0 [sflag:s8], $0x0  }
0x24: {  	s3 =	sadd.s32 $0x88, s3;
	s6 =	simm.s32 @!p1 $0x1082;
	[sflag:s4] =	ssyncset.s32 $0xFFFFF086  }
0x25: {  	[simem:s6], [sflag:s4] =	dma.local [hbm:s3], $0xF7A  }
0x26: {  	[smem:$0x3F9F] =	sst s1;
	(tag) =	ssettag s2;
	_ =	strace s9  }
0x27: {  	s1 =	sld [smem:$0x3FAF]  }
0x28: {  	s2 =	sld [smem:$0x3FB0]  }
0x29: {  	s4 =	sld [smem:$0x3FB2]  }
0x2a: {  	p0 =	seq.s32 s5, $0x0;
	s5 =	sld [smem:$0x3FB3]  }
0x2b: {  	s6 =	sld [smem:$0x3FB4]  }
0x2c: {  	s7 =	sld [smem:$0x3FB5]  }
0x2d: {  	s3 =	simm.s32 $0x108;
	s8 =	sld [smem:$0x3FB6]  }
0x2e: {  	s3 =	simm.s32 @!p0 $0x1082;
	s9 =	sld [smem:$0x3FB7]  }
0x2f: {  	lr =	sadd.s32 s0, s3;
	s0 =	sld [smem:$0x3FAE]  }
0x30: {  	s3 =	sld [smem:$0x3FB1]  }
0x31: {  	[smem:$0x3FBA] =	sst s10  }
0x32: {  	s10 =	sld [smem:$0x3FB8];
	_ =	sdelay $0x3  }
0x33: {  	p0 =	seq.s32 s10, $0x1;
	s10 =	sld [smem:$0x3FBA];
	_ =	sdelay $0x3  }
0x34: {  	[smem:$0x3FBA] =	sst s10  }
0x35: {  	s10 =	sld [smem:$0x3FB9];
	_ =	sdelay $0x3  }
0x36: {  	p1 =	seq.s32 s10, $0x1;
	s10 =	sld [smem:$0x3FBA];
	_ =	sdelay $0x3  }
0x37: {  	[smem:$0x3FBA] =	sst s10  }
0x38: {  	s10 =	sld [smem:$0x3FBB]  }
0x39: {  	_ = 	snop;
	(pc) =	sbr.ind lr, $3  }
0x3a: {  	_ = 	snop  }
0x3b: {  	_ = 	snop  }
0x3c: {  	p2 =	seq.s32 s10, $0x1;
	s10 =	sld [smem:$0x3FBA]  }
0x3d: {  	_ =	shalt  }
0x3e: {  	_ =	shalt  }
0x3f: {  	_ =	shalt  }
0x40: {  	_ =	shalt  }
0x41: {  	_ =	shalt  }
0x42: {  	_ =	shalt  }
0x43: {  	_ =	shalt  }
0x44: {  	_ =	shalt  }
0x45: {  	_ =	shalt  }
0x46: {  	_ =	shalt  }
0x47: {  	_ =	shalt  }
0x48: {  	_ =	shalt  }
0x49: {  	_ =	shalt  }
0x4a: {  	_ =	shalt  }
0x4b: {  	_ =	shalt  }
0x4c: {  	_ =	shalt  }
0x4d: {  	_ =	shalt  }
0x4e: {  	_ =	shalt  }
0x4f: {  	_ =	shalt  }
0x50: {  	_ =	shalt  }
0x51: {  	_ =	shalt  }
0x52: {  	_ =	shalt  }
0x53: {  	_ =	shalt  }
0x54: {  	_ =	shalt  }
0x55: {  	_ =	shalt  }
0x56: {  	_ =	shalt  }
0x57: {  	_ =	shalt  }
0x58: {  	_ =	shalt  }
0x59: {  	_ =	shalt  }
0x5a: {  	_ =	shalt  }
0x5b: {  	_ =	shalt  }
0x5c: {  	_ =	shalt  }
0x5d: {  	_ =	shalt  }
0x5e: {  	_ =	shalt  }
0x5f: {  	_ =	shalt  }
0x60: {  	_ =	shalt  }
0x61: {  	_ =	shalt  }
0x62: {  	_ =	shalt  }
0x63: {  	_ =	shalt  }
0x64: {  	_ =	shalt  }
0x65: {  	_ =	shalt  }
0x66: {  	_ =	shalt  }
0x67: {  	_ =	shalt  }
0x68: {  	_ =	shalt  }
0x69: {  	_ =	shalt  }
0x6a: {  	_ =	shalt  }
0x6b: {  	_ =	shalt  }
0x6c: {  	_ =	shalt  }
0x6d: {  	_ =	shalt  }
0x6e: {  	_ =	shalt  }
0x6f: {  	_ =	shalt  }
0x70: {  	_ =	shalt  }
0x71: {  	_ =	shalt  }
0x72: {  	_ =	shalt  }
0x73: {  	_ =	shalt  }
0x74: {  	_ =	shalt  }
0x75: {  	_ =	shalt  }
0x76: {  	_ =	shalt  }
0x77: {  	_ =	shalt  }
0x78: {  	_ =	shalt  }
0x79: {  	_ =	shalt  }
0x7a: {  	_ =	shalt  }
0x7b: {  	_ =	shalt  }
0x7c: {  	_ =	shalt  }
0x7d: {  	_ =	shalt  }
0x7e: {  	_ =	shalt  }
0x7f: {  	_ =	shalt  }
0x80: {  	_ =	shalt  }
0x81: {  	_ =	shalt  }
0x82: {  	_ =	shalt  }
0x83: {  	_ =	shalt  }
0x84: {  	_ =	shalt  }
0x85: {  	_ =	shalt  }
0x86: {  	_ =	shalt  }
0x87: {  	_ =	shalt  }
.Lfunc_end0:
.L_simem_size_0:
called_computation_lowered:
.L_overlay_start_0:
0x88: {  	s2 =	sld [smem:$0x3FD9]  }
0x89: {  	s3 =	sld [smem:$0x3FFE];
	_ =	sdelay $0x1  }
0x8a: {  	s1 =	srdreg.scid  }
0x8b: {  	s0 =	sand.u32 $0x1, s1  }
0x8c: {  	s16 =	sshll.u32 s0, $0xA;
	s2 =	sadd.s32 s3, s2  }
0x8d: {  	s2 =	sadd.s32 s2, s16  }
0x8e: {  	[smem:$0x3FC6] =	sst s2  }
0x8f: {  	_ = 	snop  }
0x90: {  	(tm) =	ssettm $0x1  }
0x91: {  	s17 =	sld [smem:$0x3FFB];
	_ =	sdelay $0x3  }
0x92: {  	_ =	strace s17  }
0x93: {  	s2 =	sld [smem:$0x3FFC];
	_ =	sdelay $0x3  }
0x94: {  	_ =	strace s2  }
0x95: {  	s2 =	sld [smem:$0x3FFD];
	_ =	sdelay $0x3  }
0x96: {  	_ =	strace s2  }
0x97: {  	_ =	strace $0x8FFFFFFF  }
0x98: {  	s18 =	sld [smem:$0x3FDB];
	_ =	sdelay $0x1  }
0x99: {  	s19 =	simm.s32 $_scs_section_size  }
0x9a: {  	s4 =	simm.s32 $_size__tile_overlayer_lowered;
	s5 =	simm.s32 $_tile_overlayer_lowered  }
0x9b: {  	s22 =	simm.s32 $0x1BFF;
	s21 =	sshll.u32 s5, $0x1;
	s2 =	sadd.s32 s19, s18  }
0x9c: {  	s6 =	simm.s32 $0x0;
	s20 =	sshll.u32 s4, $0x1;
	s4 =	sadd.s32 s21, s2  }
0x9d: {  	[timem:s6], [sflag:s22] =	dma.local [hbm:s4], s20  }
0x9e: {  	_ =	swait.ge [sflag:s22], s20  }
0x9f: {  	s3 =	ssub.s32 $0x0, s20;
	[sflag:s22] =	ssyncset.done $0x0  }
0xa0: {  	[sflag:s22] =	ssyncadd.s32 s3;
	_ =	sdelay $0x1  }
0xa1: {  	s23 =	simm.s32 $0x1B8B  }
0xa2: {  	_ =	swait.ge [sflag:s23], $0x1  }
0xa3: {  	[sflag:s23] =	ssyncset.done $0x0  }
0xa4: {  	s25 =	simm.s32 $0x1B8E;
	s24 =	sld [smem:$0x3FFE];
	[sflag:s23] =	ssyncadd.s32 $0xFFFFFFFF  }
0xa5: {  	s26 =	simm.s32 $execute0_lowered;
	[smem:$0x3FD2] =	sst s25  }
0xa6: {  	s4 =	sshll.u32 s26, $0x1;
	_ =	strace $0x80000046;
	[dreg:$0x1] =	wrdreg $0xFFFFFFFF  }
0xa7: {  	s28 =	simm.s32 $_size_execute0_lowered;
	s2 =	sadd.s32 s2, s4;
	[dreg:$0x0] =	wrdreg $0x0  }
0xa8: {  	s4 =	sshll.u32 s28, $0x1;
	[dreg:$0x2] =	wrdreg s2  }
0xa9: {  	[dreg:$0x3] =	wrdreg s4  }
0xaa: {  	[dreg:$0x4] =	wrdreg $0xC0  }
0xab: {  	_ =	task [dreg:s6], $0x5FFFF  }
0xac: {  	[dreg:$0x1] =	wrdreg $0xFFFFFFFF  }
0xad: {  	[dreg:$0x0] =	wrdreg $0x60  }
0xae: {  	[dreg:$0x2] =	wrdreg s24  }
0xaf: {  	[dreg:$0x3] =	wrdreg $0x9  }
0xb0: {  	_ =	task.clear_ibuf [dreg:s6], $0x4FFFF;
	_ =	strace $0x90000046  }
0xb1: {  	s29 =	simm.s32 $0x9;
	_ =	strace $0x80000048  }
0xb2: {  	_ =	swait.ge [sflag:s29], $0x1  }
0xb3: {  	[sflag:s29] =	ssyncadd.s32 $0xFFFFFFFF  }
0xb4: {  	_ =	strace $0x90000048  }
0xb5: {  	_ =	sfence  }
0xb6: {  	s30 =	sld [smem:$0x0];
	_ =	sdelay $0x2  }
0xb7: {  	s31 =	sshll.u32 s1, $0xD;
	s1 =	sshrl.u32 s1, $0x2  }
0xb8: {  	s3 =	sand.u32 $0x4000, s31;
	s1 =	sadd.s32 s1, s30  }
0xb9: {  	s0 =	sor.u32 s3, s0;
	s1 =	sshll.u32 s1, $0x11  }
0xba: {  	s0 =	sor.u32 s1, s0  }
0xbb: {  	s0 =	sadd.s32 $0x8F2B, s0  }
0xbc: {  	[sflag:s0] =	ssyncadd.remote.s32 $0x1  }
0xbd: {  	_ =	sfence.sel $0xFFFF  }
0xbe: {  	[dreg:$0x0] =	wrdreg $0xFFFFFFFF;
	(pc) =	sbr.abs _section_cstart, $3  }
0xbf: {  	[dreg:$0x1] =	wrdreg $0xFFFFFFFF  }
0xc0: {  	_ =	task.clear_ibuf [dreg:s6], $0x2FFFF;
	_ =	strace $0x9FFFFFFF  }
0xc1: {  	(tm) =	ssettm $0x7FFFFFFF  }
tec
execute0_lowered:
.L_overlay_start_1:
0x0: {  	(tag) =	ssettag $0x1  }
0x1: {  	v0 =	vlaneseq.u32  }
0x2: {  	v0 =	vmul.u32 $0x1E, v0  }
0x3: {  	s3 =	rddreg [dreg:$0x0];
	s2 =	simm.s32 $0x0  }
0x4: {  	[smem:$0x7FF] =	sst s2;
	v1 =	vor.u32 $0x1, v0  }
0x5: {  	s0 =	rddreg [dreg:$0x1];
	_ =	strace $0x80000047;
	v50 =	vadd.s32 $0x2, v0;
	[tilespmem:$0x1FF10] =	vst v1  }
0x6: {  	v51 =	vadd.s32 $0x3, v0;
	[tilespmem:$0x1FF20] =	vst v50  }
0x7: {  	v52 =	vadd.s32 $0x4, v0;
	[tilespmem:$0x1FF30] =	vst v51  }
0x8: {  	v53 =	vadd.s32 $0x5, v0;
	[tilespmem:$0x1FF40] =	vst v52  }
0x9: {  	s1 =	srdreg.scid;
	s12 =	simm.s32 $0x1;
	s13 =	simm.s32 $0x2;
	v54 =	vadd.s32 $0x6, v0;
	[tilespmem:$0x1FF50] =	vst v53  }
0xa: {  	s14 =	simm.s32 $0xB800;
	s15 =	simm.s32 $0x5;
	s4 =	sand.u32 $0x1, s1;
	v55 =	vadd.s32 $0x7, v0;
	[tilespmem:$0x1FF60] =	vst v54  }
0xb: {  	s1 =	stileid.u32;
	s7 =	sadd.s32 $0x200, s3;
	s5 =	sshll.u32 s4, $0x4;
	v56 =	vadd.s32 $0x8, v0;
	[tilespmem:$0x1FF70] =	vst v55  }
0xc: {  	s9 =	sadd.s32 $0x17200, s3;
	s6 =	sshll.u32 s1, $0x4;
	s5 =	sor.u32 s1, s5;
	v57 =	vadd.s32 $0x9, v0;
	[tilespmem:$0x1FF80] =	vst v56  }
0xd: {  	s31 =	ssub.s32 $0x2, s4;
	s6 =	sand.u32 $0x70, s6;
	v58 =	vadd.s32 $0xA, v0;
	v59 =	vadd.s32 $0xB, v0;
	v60 =	vadd.s32 $0xC, v0;
	s8 =	smul.u32 $0x5BE0, s5;
	[tilespmem:$0x1FF90] =	vst v57  }
0xe: {  	s4 =	sshrl.u32 s31, $0x1;
	v61 =	vadd.s32 $0xD, v0;
	v62 =	vadd.s32 $0xE, v0;
	v63 =	vadd.s32 $0xF, v0;
	s6 =	sadd.s32 s6, s3;
	s5 =	sshll.u32 s5, $0x4;
	[tilespmem:$0x1FFA0] =	vst v58  }
0xf: {  	v16 =	vadd.s32 $0x10, v0;
	v17 =	vadd.s32 $0x11, v0;
	v18 =	vadd.s32 $0x12, v0;
	[tilespmem:$0x1FFB0] =	vst v59;
	s10 =	ssub.s32 s31, s4;
	s5 =	sand.u32 $0x180, s5;
	s8 =	sshrl.u32 s8, $0x3  }
0x10: {  	v19 =	vadd.s32 $0x13, v0;
	v20 =	vadd.s32 $0x14, v0;
	v21 =	vadd.s32 $0x15, v0;
	[tilespmem:$0x1FFC0] =	vst v60;
	s3 =	sadd.s32 s7, s8;
	s4 =	sadd.s32 s9, s8;
	s8 =	sadd.s32 $0x5DC, s8  }
0x11: {  	s16 =	simm.s32 $0x0;
	v22 =	vadd.s32 $0x16, v0;
	v23 =	vadd.s32 $0x17, v0;
	v24 =	vadd.s32 $0x18, v0;
	[tilespmem:$0x1FFD0] =	vst v61;
	s11 =	sadd.s32 s5, s6;
	s5 =	sadd.s32 s7, s8  }
0x12: {  	v25 =	vadd.s32 $0x19, v0;
	v26 =	vadd.s32 $0x1A, v0;
	v27 =	vadd.s32 $0x1B, v0;
	[tilespmem:$0x1FFE0] =	vst v62;
	s6 =	sadd.s32 s9, s8;
	s7 =	sadd.s32 $0x2E200, s11;
	s8 =	smax.u32 s10, $0x1  }
0x13: {  	v28 =	vadd.s32 $0x1C, v0;
	v15 =	vmov v0;
	v29 =	vadd.s32 $0x1D, v0;
	[tilespmem:$0x1FFF0] =	vst v63;
	s9 =	simm.s32 $0x5C00;
	s10 =	simm.s32 $0x2EE0;
	s11 =	simm.s32 $0x8AE0  }
.LBB2_1:
0x14: {  	[tilespmem:s2], [sflag:$0x1] =	stream.linear.gather [hbm4b:s3+s2], $0x2EE0, $0x38;
	[tilespmem:$0xB880] =	vst v63  }
0x15: {  	_ = 	snop  }
0x16: {  	[tilespmem:s9], [sflag:$0x2] =	stream.linear.gather [hbm4b:s4+s2], $0x2EE0, $0x38;
	[tilespmem:$0xB880] =	vst v63  }
0x17: {  	_ = 	snop  }
0x18: {  	[tilespmem:s10], [sflag:$0x3] =	stream.linear.gather [hbm4b:s5+s2], $0x2D00, $0x38;
	[tilespmem:$0xB880] =	vst v63  }
0x19: {  	_ = 	snop  }
0x1a: {  	[tilespmem:s11], [sflag:$0x4] =	stream.linear.gather [hbm4b:s6+s2], $0x2D00, $0x38;
	[tilespmem:$0xB880] =	vst v63  }
0x1b: {  	_ =	swait.ge [sflag:s12], $0x2EE0  }
0x1c: {  	[sflag:s12] =	ssyncset.done $0x0  }
0x1d: {  	[sflag:s12] =	ssyncadd.s32 $0xFFFFD120  }
0x1e: {  	_ =	swait.ge [sflag:s13], $0x2EE0  }
0x1f: {  	p0 =	por $0x1, $0x1;
	[sflag:s13] =	ssyncset.done $0x0  }
0x20: {  	s17 =	simm.s32 @!p0 $0x3;
	[sflag:s13] =	ssyncadd.s32 $0xFFFFD120  }
0x21: {  	_ =	swait.ge @!p0 [sflag:s17], $0x2D00  }
0x22: {  	[sflag:s17] =	ssyncset.done @!p0 $0x0  }
0x23: {  	v0 =	vld [tilespmem:$0x1FF80];
	[sflag:s17] =	ssyncadd.s32 @!p0 $0xFFFFD300;
	s17 =	simm.s32 @!p0 $0x4  }
0x24: {  	v56 =	vld [tilespmem:$0x1FF10];
	_ =	swait.ge @!p0 [sflag:s17], $0x2D00  }
0x25: {  	v57 =	vld [tilespmem:$0x1FF20]  }
0x26: {  	v58 =	vld [tilespmem:$0x1FF30]  }
0x27: {  	v59 =	vld [tilespmem:$0x1FF70]  }
0x28: {  	v60 =	vld [tilespmem:$0x1FF60]  }
0x29: {  	v61 =	vld [tilespmem:$0x1FF50]  }
0x2a: {  	v38 =	vadd.s32 s2, v15;
	v62 =	vld [tilespmem:$0x1FFA0]  }
0x2b: {  	v63 =	vld [tilespmem:$0x1FFC0]  }
0x2c: {  	v4 =	vld [tilespmem:$0x1FFD0]  }
0x2d: {  	[sflag:s17] =	ssyncset.done @!p0 $0x0;
	v5 =	vld [tilespmem:$0x1FFE0];
	v44 =	vadd.s32 s2, v0  }
0x2e: {  	v6 =	vld [tilespmem:$0x1FFB0];
	[sflag:s17] =	ssyncadd.s32 @!p0 $0xFFFFD300;
	v34 =	vadd.s32 s2, v56  }
0x2f: {  	v36 =	vld.idx.msk [tilespmem:v38+s2+$0x0], $0xffff  }
0x30: {  	v38 =	vld.idx.msk [tilespmem:v38+s9+$0x0], $0xffff;
	v31 =	vadd.s32 s2, v57  }
0x31: {  	v39 =	vadd.s32 s2, v58;
	v51 =	vadd.s32 s2, v4;
	v4 =	vld [tilespmem:$0x1FFF0]  }
0x32: {  	v45 =	vadd.s32 s2, v59;
	v35 =	vld.idx.msk [tilespmem:v44+s2+$0x0], $0xffff  }
0x33: {  	v3 =	vadd.s32 s2, v60;
	v1 =	vld.idx.msk [tilespmem:v34+s2+$0x0], $0xffff  }
0x34: {  	v46 =	vadd.s32 s2, v62;
	v34 =	vld.idx.msk [tilespmem:v34+s9+$0x0], $0xffff  }
0x35: {  	v33 =	vld.idx.msk [tilespmem:v31+s2+$0x0], $0xffff  }
0x36: {  	v50 =	vadd.s32 s2, v63;
	v37 =	vld.idx.msk [tilespmem:v39+s2+$0x0], $0xffff  }
0x37: {  	v42 =	vld.idx.msk [tilespmem:v45+s2+$0x0], $0xffff  }
0x38: {  	v52 =	vadd.s32 s2, v5;
	v2 =	vld.idx.msk [tilespmem:v3+s2+$0x0], $0xffff  }
0x39: {  	v57 =	vld.idx.msk [tilespmem:v46+s2+$0x0], $0xffff  }
0x3a: {  	v46 =	vld.idx.msk [tilespmem:v46+s9+$0x0], $0xffff  }
0x3b: {  	v43 =	vadd.s32 s2, v61;
	v62 =	vld.idx.msk [tilespmem:v50+s2+$0x0], $0xffff  }
0x3c: {  	v50 =	vld.idx.msk [tilespmem:v50+s9+$0x0], $0xffff  }
0x3d: {  	v54 =	vadd.s32 s2, v6;
	v6 =	vld.idx.msk [tilespmem:v52+s2+$0x0], $0xffff  }
0x3e: {  	v53 =	vmul.f32 $7.142857460e-02, v36;
	v52 =	vld.idx.msk [tilespmem:v52+s9+$0x0], $0xffff  }
0x3f: {  	v61 =	vmul.f32 $7.142857460e-02, v38;
	v40 =	vld.idx.msk [tilespmem:v31+s9+$0x0], $0xffff;
	v47 =	vmul.f32 $5.000000000e-01, v35  }
0x40: {  	v41 =	vld.idx.msk [tilespmem:v43+s2+$0x0], $0xffff;
	v48 =	vmul.f32 $7.142857460e-02, v1;
	v30 =	vmul.f32 $7.142857460e-02, v34  }
0x41: {  	v39 =	vld.idx.msk [tilespmem:v39+s9+$0x0], $0xffff;
	v5 =	vadd.s32 s2, v4;
	v49 =	vmul.f32 $5.000000000e-01, v37;
	v55 =	vmul.f32 $5.000000000e-01, v33  }
0x42: {  	v58 =	vmul.f32 $5.000000000e-01, v42;
	v46 =	vsub.f32 v57, v46;
	v50 =	vsub.f32 v62, v50  }
0x43: {  	v9 =	vld.idx.msk [tilespmem:v54+s2+$0x0], $0xffff;
	v7 =	vmul.f32 $7.142857460e-02, v2;
	v52 =	vsub.f32 v6, v52;
	v56 =	vsub.f32 v48, v49  }
0x44: {  	v54 =	vld.idx.msk [tilespmem:v54+s9+$0x0], $0xffff;
	v59 =	vmul.f32 $5.000000000e-01, v40;
	v48 =	vadd.f32 v49, v48;
	v60 =	vsub.f32 v53, v55  }
0x45: {  	v8 =	vmul.f32 $7.142857460e-02, v41;
	v53 =	vadd.f32 v55, v53;
	v63 =	vadd.f32 v47, v7  }
0x46: {  	v31 =	vmul.f32 $5.000000000e-01, v39;
	v32 =	vadd.f32 v59, v61;
	v47 =	vsub.f32 v7, v47  }
0x47: {  	v4 =	vadd.s32 s2, v20;
	v59 =	vsub.f32 v61, v59;
	v10 =	vsub.f32 v8, v58  }
0x48: {  	v44 =	vld.idx.msk [tilespmem:v44+s9+$0x0], $0xffff;
	v57 =	vadd.s32 s2, v19;
	v55 =	vadd.f32 v58, v8;
	v11 =	vsub.f32 v30, v31  }
0x49: {  	v45 =	vld.idx.msk [tilespmem:v45+s9+$0x0], $0xffff;
	v30 =	vadd.f32 v31, v30;
	v49 =	vsub.f32 v9, v54;
	v7 =	vadd.s32 s2, v16  }
0x4a: {  	v31 =	vld.idx.msk [tilespmem:v51+s2+$0x0], $0xffff;
	v8 =	vmul.f32 v39, v40;
	v9 =	vadd.s32 s2, v17;
	v46 =	vmul.f32 v46, v46  }
0x4b: {  	v51 =	vld.idx.msk [tilespmem:v51+s9+$0x0], $0xffff;
	v61 =	vadd.s32 s2, v18;
	v50 =	vmul.f32 v50, v50;
	v58 =	vmax.f32 v60, v59  }
0x4c: {  	v59 =	vmax.f32 v10, v59;
	v47 =	vmax.f32 v47, v11;
	v56 =	vmax.f32 v56, v11;
	v11 =	vld.idx.msk [tilespmem:v5+s2+$0x0], $0xffff  }
0x4d: {  	v53 =	vmin.f32 v53, v32;
	v32 =	vmin.f32 v55, v32;
	v48 =	vmin.f32 v48, v30;
	v55 =	vld.idx.msk [tilespmem:v5+s9+$0x0], $0xffff  }
0x4e: {  	v30 =	vmin.f32 v63, v30;
	v49 =	vmul.f32 v49, v49;
	v32 =	vsub.f32 v32, v59;
	v62 =	vld.idx.msk [tilespmem:v7+s2+$0x0], $0xffff  }
0x4f: {  	v10 =	vmul.f32 v35, v42;
	v48 =	vsub.f32 v48, v56;
	v30 =	vsub.f32 v30, v47;
	v54 =	vld.idx.msk [tilespmem:v7+s9+$0x0], $0xffff  }
0x50: {  	v63 =	vmul.f32 v37, v33;
	v53 =	vsub.f32 v53, v58;
	v31 =	vsub.f32 v31, v51;
	v0 =	vld.idx.msk [tilespmem:v9+s2+$0x0], $0xffff  }
0x51: {  	v32 =	vmax.f32 v32, $0.0e+00;
	v30 =	vmax.f32 v30, $0.0e+00;
	v48 =	vmax.f32 v48, $0.0e+00;
	v56 =	vld.idx.msk [tilespmem:v9+s9+$0x0], $0xffff  }
0x52: {  	v51 =	vadd.f32 v10, v8;
	v53 =	vmax.f32 v53, $0.0e+00;
	v5 =	vld.idx.msk [tilespmem:v61+s2+$0x0], $0xffff;
	v30 =	vmul.f32 v30, v32  }
0x53: {  	v46 =	vadd.f32 v49, v46;
	v58 =	vadd.f32 v63, v8;
	v6 =	vld.idx.msk [tilespmem:v61+s9+$0x0], $0xffff;
	v48 =	vmul.f32 v48, v53  }
0x54: {  	v60 =	vadd.s32 s2, v23;
	v7 =	vld.idx.msk [tilespmem:v57+s2+$0x0], $0xffff;
	v9 =	vadd.s32 s2, v21;
	v51 =	vsub.f32 v51, v30  }
0x55: {  	v57 =	vld.idx.msk [tilespmem:v57+s9+$0x0], $0xffff;
	v46 =	vadd.f32 v50, v46;
	v31 =	vmul.f32 v31, v31;
	v58 =	vsub.f32 v58, v48  }
0x56: {  	v43 =	vld.idx.msk [tilespmem:v43+s9+$0x0], $0xffff;
	v47 =	vsub.f32 v11, v55;
	(erf) = vrcp.f32 v51  }
0x57: {  	v8 =	vmul.f32 v52, v52;
	v10 =	vld.idx.msk [tilespmem:v4+s2+$0x0], $0xffff;
	v31 =	vadd.f32 v31, v46;
	(erf) = vrcp.f32 v58  }
0x58: {  	v11 =	vld.idx.msk [tilespmem:v4+s9+$0x0], $0xffff;
	v47 =	vmul.f32 v47, v47;
	v49 =	vsub.f32 v62, v54  }
0x59: {  	v32 =	vsub.f32 v0, v56;
	v61 =	vld.idx.msk [tilespmem:v9+s2+$0x0], $0xffff;
	v31 =	vadd.f32 v8, v31;
	v58 =	vadd.s32 s2, v22  }
0x5a: {  	v50 =	vsub.f32 v5, v6;
	v46 =	vsub.f32 v7, v57;
	v7 =	vld.idx.msk [tilespmem:v60+s2+$0x0], $0xffff  }
0x5b: {  	v5 =	vadd.s32 s2, v24;
	v59 =	vmul.f32 v49, v49;
	v49 =	vld.idx.msk [tilespmem:v60+s9+$0x0], $0xffff;
	v31 =	vadd.f32 v47, v31  }
0x5c: {  	v62 =	vld.idx.msk [tilespmem:v9+s9+$0x0], $0xffff  }
0x5d: {  	v9 =	vadd.s32 s2, v25;
	v56 =	vld [tilespmem:$0x1FF90];
	v32 =	vmul.f32 v32, v32;
	v31 =	vadd.f32 v59, v31  }
0x5e: {  	v0 =	vld.idx.msk [tilespmem:v58+s2+$0x0], $0xffff  }
0x5f: {  	v63 =	vmul.f32 v50, v50;
	v50 =	vadd.s32 s2, v26;
	v4 =	vld.idx.msk [tilespmem:v58+s9+$0x0], $0xffff;
	v31 =	vadd.f32 v32, v31;
	v6 =	vpop (erf)  }
0x60: {  	v46 =	vmul.f32 v46, v46;
	v51 =	vsub.f32 v10, v11;
	v11 =	vld.idx.msk [tilespmem:v5+s2+$0x0], $0xffff;
	v49 =	vsub.f32 v7, v49;
	v8 =	vpop (erf)  }
0x61: {  	v57 =	vld.idx.msk [tilespmem:v5+s9+$0x0], $0xffff;
	v31 =	vadd.f32 v63, v31;
	v30 =	vmul.f32 v6, v30;
	v48 =	vmul.f32 v8, v48  }
0x62: {  	v60 =	vadd.s32 s2, v27;
	v10 =	vsub.f32 v61, v62;
	v59 =	vld.idx.msk [tilespmem:v9+s2+$0x0], $0xffff;
	v58 =	vmul.f32 v51, v51  }
0x63: {  	v61 =	vld.idx.msk [tilespmem:v9+s9+$0x0], $0xffff;
	v49 =	vmul.f32 v49, v49;
	v31 =	vadd.f32 v46, v31;
	vm0 =	vge.f32 v48, v30  }
0x64: {  	v7 =	vld.idx.msk [tilespmem:v50+s2+$0x0], $0xffff;
	v47 =	vsub.f32 v0, v4;
	v42 =	vsel vm0, v33, v42;
	v45 =	vsel vm0, v40, v45  }
0x65: {  	v63 =	vld.idx.msk [tilespmem:v3+s9+$0x0], $0xffff;
	v4 =	vadd.s32 s2, v28;
	v32 =	vsel vm0, v39, v44;
	v39 =	vmul.f32 v45, v42  }
0x66: {  	v50 =	vld.idx.msk [tilespmem:v50+s9+$0x0], $0xffff;
	v46 =	vmul.f32 v10, v10;
	v8 =	vsub.f32 v11, v57;
	v57 =	vadd.s32 s2, v56  }
0x67: {  	v10 =	vld [tilespmem:$0x1FF40];
	v33 =	vsel vm0, v37, v35;
	v62 =	vshra.s32 v39, $0x1;
	v37 =	vmul.f32 $5.000000000e-01, v39  }
0x68: {  	v30 =	vmax.f32 v48, v30;
	v31 =	vadd.f32 v58, v31;
	v5 =	vsub.s32 $0x5F3759DF, v62  }
0x69: {  	v47 =	vmul.f32 v47, v47;
	v36 =	vsel vm0, v36, v41;
	v9 =	vmul.f32 v5, v37  }
0x6a: {  	v58 =	vld.idx.msk [tilespmem:v60+s2+$0x0], $0xffff;
	v6 =	vsel vm0, v38, v43;
	v40 =	vsub.f32 v59, v61;
	v34 =	vsel vm0, v34, v63  }
0x6b: {  	v44 =	vld.idx.msk [tilespmem:v60+s9+$0x0], $0xffff;
	v60 =	vadd.s32 s2, v29;
	v31 =	vadd.f32 v46, v31;
	v48 =	vmul.f32 v5, v9  }
0x6c: {  	v43 =	vmul.f32 v8, v8;
	v38 =	vsub.f32 v7, v50;
	v11 =	vadd.s32 s2, v10  }
0x6d: {  	v2 =	vsel vm0, v1, v2;
	v31 =	vadd.f32 v47, v31;
	v59 =	vsub.f32 $1.500000000e+00, v48  }
0x6e: {  	v36 =	vsub.f32 v36, v6;
	v35 =	vmul.f32 v32, v33;
	v61 =	vld.idx.msk [tilespmem:v4+s2+$0x0], $0xffff;
	v40 =	vmul.f32 v40, v40  }
0x6f: {  	v63 =	vld.idx.msk [tilespmem:v4+s9+$0x0], $0xffff;
	v38 =	vmul.f32 v38, v38;
	v31 =	vadd.f32 v49, v31;
	v41 =	vmul.f32 v5, v59  }
0x70: {  	v34 =	vsub.f32 v2, v34;
	v4 =	vld.idx.msk [tilespmem:v57+s2+$0x0], $0xffff;
	v3 =	vmul.f32 $5.000000000e-01, v35;
	v36 =	vmul.f32 v36, v36  }
0x71: {  	v62 =	vshra.s32 v35, $0x1;
	v0 =	vld.idx.msk [tilespmem:v11+s2+$0x0], $0xffff;
	v31 =	vadd.f32 v43, v31;
	v37 =	vmul.f32 v41, v37  }
0x72: {  	v34 =	vmul.f32 v34, v34;
	v49 =	vsub.s32 $0x5F3759DF, v62;
	v44 =	vsub.f32 v58, v44  }
0x73: {  	v8 =	vld.idx.msk [tilespmem:v57+s9+$0x0], $0xffff;
	v31 =	vadd.f32 v40, v31;
	v5 =	vmul.f32 v49, v3;
	v37 =	vmul.f32 v37, v41  }
0x74: {  	v6 =	vld.idx.msk [tilespmem:v60+s2+$0x0], $0xffff;
	v34 =	vadd.f32 v34, v36;
	v44 =	vmul.f32 v44, v44  }
0x75: {  	v47 =	vld.idx.msk [tilespmem:v60+s9+$0x0], $0xffff;
	v38 =	vadd.f32 v38, v31;
	v7 =	vmul.f32 v49, v5;
	v31 =	vsub.f32 $1.500000000e+00, v37  }
0x76: {  	v34 =	vadd.f32 v34, v42;
	v48 =	vsub.f32 v61, v63;
	v9 =	vsel vm0, v0, v4  }
0x77: {  	v36 =	vsub.f32 v9, v30;
	v10 =	vsub.f32 $1.500000000e+00, v7;
	v30 =	vmul.f32 v31, v41;
	v31 =	vld.idx.msk [tilespmem:v11+s9+$0x0], $0xffff  }
0x78: {  	v56 =	vadd.f32 v34, v45;
	v34 =	vsel vm0, v4, v0  }
0x79: {  	v38 =	vadd.f32 v44, v38;
	v51 =	vmul.f32 v49, v10;
	v11 =	vmul.f32 v48, v48  }
0x7a: {  	v37 =	vsub.f32 v4, v8;
	v41 =	vsub.f32 v6, v47;
	v52 =	vmul.f32 v30, v39  }
0x7b: {  	p1 =	por $0x1, $0x1;
	v60 =	vmul.f32 v51, v3;
	v40 =	vadd.f32 v11, v38;
	v30 =	vimm.f32 $0.0e+00  }
0x7c: {  	s18 =	simm.s32 $0x3C0;
	s20 =	simm.s32 @!p1 $0x3;
	s17 =	simm.s32 $0x1E0;
	v38 =	vmul.f32 v36, v36;
	v59 =	vadd.f32 v52, v52;
	v39 =	vsub.f32 v0, v31  }
.LBB2_2:
0x7d: {  	_ =	swait.ge @!p1 [sflag:s20], $0x2D00  }
0x7e: {  	[sflag:s20] =	ssyncset.done @!p1 $0x0  }
0x7f: {  	v0 =	vld [tilespmem:$0x1FF80];
	[sflag:s20] =	ssyncadd.s32 @!p1 $0xFFFFD300;
	s20 =	simm.s32 @!p1 $0x4  }
0x80: {  	v8 =	vld [tilespmem:$0x1FF10];
	_ =	swait.ge @!p1 [sflag:s20], $0x2D00  }
0x81: {  	v9 =	vld [tilespmem:$0x1FF20]  }
0x82: {  	v10 =	vld [tilespmem:$0x1FF30]  }
0x83: {  	v42 =	vsub.f32 v56, v59;
	v59 =	vld [tilespmem:$0x1FF70]  }
0x84: {  	v36 =	vmul.f32 v60, v51;
	v60 =	vld [tilespmem:$0x1FF50]  }
0x85: {  	v61 =	vld [tilespmem:$0x1FF60]  }
0x86: {  	v53 =	vadd.s32 s17, v15;
	v36 =	vsub.f32 $1.500000000e+00, v36;
	v63 =	vld [tilespmem:$0x1FFF0]  }
0x87: {  	v5 =	vld [tilespmem:$0x1FFA0]  }
0x88: {  	v7 =	vld [tilespmem:$0x1FFD0];
	v36 =	vmul.f32 v36, v51  }
0x89: {  	[sflag:s20] =	ssyncset.done @!p1 $0x0;
	v2 =	vld [tilespmem:$0x1FFC0];
	v44 =	vadd.s32 s17, v0  }
0x8a: {  	[sflag:s20] =	ssyncadd.s32 @!p1 $0xFFFFD300;
	v52 =	vadd.s32 s17, v8;
	v8 =	vld [tilespmem:$0x1FFE0];
	v35 =	vmul.f32 v36, v35  }
0x8b: {  	v58 =	vmul.f32 v34, v34;
	v34 =	vld.idx.msk [tilespmem:v53+s9+$0x0], $0xffff;
	v43 =	vadd.s32 s17, v9  }
0x8c: {  	v33 =	vadd.f32 v42, v33;
	v11 =	vadd.s32 s17, v10;
	v54 =	vadd.f32 v35, v35;
	v35 =	vld.idx.msk [tilespmem:v53+s2+$0x0], $0xffff  }
0x8d: {  	v9 =	vld [tilespmem:$0x1FFB0]  }
0x8e: {  	v42 =	vadd.f32 v33, v32;
	v47 =	vadd.s32 s17, v59;
	v33 =	vld.idx.msk [tilespmem:v44+s2+$0x0], $0xffff  }
0x8f: {  	v48 =	vadd.s32 s17, v61;
	v36 =	vld.idx.msk [tilespmem:v52+s2+$0x0], $0xffff  }
0x90: {  	v6 =	vadd.s32 s17, v5;
	v32 =	vld.idx.msk [tilespmem:v43+s2+$0x0], $0xffff  }
0x91: {  	v55 =	vadd.f32 v38, v38;
	v37 =	vmul.f32 v37, v37;
	v62 =	vmul.f32 v41, v41;
	v38 =	vld.idx.msk [tilespmem:v11+s2+$0x0], $0xffff  }
0x92: {  	v39 =	vmul.f32 v39, v39;
	v46 =	vadd.s32 s17, v60;
	v54 =	vsub.f32 v42, v54;
	v41 =	vld.idx.msk [tilespmem:v43+s9+$0x0], $0xffff  }
0x93: {  	v50 =	vadd.s32 s17, v19;
	vm0 =	vgt.f32 v31, $0.0e+00;
	v42 =	vld.idx.msk [tilespmem:v47+s2+$0x0], $0xffff  }
0x94: {  	v13 =	vadd.s32 s17, v18;
	v39 =	vadd.f32 v37, v39;
	v4 =	vmul.f32 $5.000000000e+00, v54;
	v37 =	vld.idx.msk [tilespmem:v48+s2+$0x0], $0xffff  }
0x95: {  	v14 =	vadd.s32 s17, v16;
	v57 =	vadd.s32 s17, v63;
	v63 =	vadd.s32 s17, v9;
	v3 =	vld.idx.msk [tilespmem:v6+s2+$0x0], $0xffff  }
0x96: {  	v56 =	vadd.f32 v62, v40;
	v60 =	vadd.s32 s17, v7;
	v54 =	vld.idx.msk [tilespmem:v6+s9+$0x0], $0xffff;
	v55 =	vadd.f32 v4, v55  }
0x97: {  	v10 =	vmul.f32 $5.000000000e-01, v39;
	v61 =	vadd.s32 s17, v8;
	v43 =	vld.idx.msk [tilespmem:v46+s2+$0x0], $0xffff;
	v62 =	vmul.f32 $7.142857460e-02, v35  }
0x98: {  	v39 =	vld.idx.msk [tilespmem:v52+s9+$0x0], $0xffff;
	v59 =	vmul.f32 $5.000000000e-01, v33;
	v51 =	vmul.f32 $7.142857460e-02, v36;
	v55 =	vadd.f32 v55, v58  }
0x99: {  	v40 =	vld.idx.msk [tilespmem:v11+s9+$0x0], $0xffff;
	v58 =	vadd.s32 s17, v2;
	v11 =	vmul.f32 $5.000000000e-01, v32;
	v1 =	vmul.f32 $5.000000000e-01, v38  }
0x9a: {  	v2 =	vmul.f32 $5.000000000e-01, v42;
	v55 =	vadd.f32 v56, v55;
	v4 =	vmul.f32 $5.000000000e-01, v41;
	v7 =	vld.idx.msk [tilespmem:v63+s2+$0x0], $0xffff  }
0x9b: {  	v6 =	vmul.f32 $7.142857460e-02, v37;
	v63 =	vld.idx.msk [tilespmem:v63+s9+$0x0], $0xffff;
	v3 =	vsub.f32 v3, v54;
	v5 =	vsub.f32 v62, v11  }
0x9c: {  	v54 =	vld.idx.msk [tilespmem:v61+s2+$0x0], $0xffff;
	v53 =	vadd.f32 v11, v62;
	v62 =	vmul.f32 $7.142857460e-02, v43;
	v0 =	vsel vm0, v55, v10  }
0x9d: {  	v55 =	vmul.f32 $7.142857460e-02, v34;
	v11 =	vadd.f32 v59, v6;
	v6 =	vsub.f32 v6, v59;
	v59 =	vld.idx.msk [tilespmem:v60+s2+$0x0], $0xffff  }
0x9e: {  	v8 =	vmul.f32 $5.000000000e-01, v40;
	v31 =	vsub.f32 v51, v1;
	v60 =	vld.idx.msk [tilespmem:v60+s9+$0x0], $0xffff;
	v30 =	vadd.f32 v0, v30  }
0x9f: {  	v9 =	vld.idx.msk [tilespmem:v58+s2+$0x0], $0xffff;
	v0 =	vmul.f32 $7.142857460e-02, v39;
	v10 =	vsub.f32 v62, v2;
	v12 =	vadd.f32 v4, v55  }
0xa0: {  	v52 =	vmul.f32 v38, v32;
	v58 =	vld.idx.msk [tilespmem:v58+s9+$0x0], $0xffff;
	v4 =	vsub.f32 v55, v4;
	v2 =	vadd.f32 v2, v62  }
0xa1: {  	v56 =	vmul.f32 v40, v41;
	v55 =	vsub.f32 v0, v8;
	v0 =	vadd.f32 v8, v0;
	v8 =	vld.idx.msk [tilespmem:v61+s9+$0x0], $0xffff  }
0xa2: {  	v1 =	vadd.f32 v1, v51;
	v7 =	vsub.f32 v7, v63;
	v63 =	vld.idx.msk [tilespmem:v50+s2+$0x0], $0xffff;
	v5 =	vmax.f32 v5, v4  }
0xa3: {  	v4 =	vmax.f32 v10, v4;
	v10 =	vmin.f32 v53, v12;
	v2 =	vmin.f32 v2, v12;
	v12 =	vld.idx.msk [tilespmem:v57+s2+$0x0], $0xffff  }
0xa4: {  	v45 =	vadd.s32 s17, v21;
	v1 =	vmin.f32 v1, v0;
	v0 =	vmin.f32 v11, v0;
	v11 =	vld.idx.msk [tilespmem:v14+s2+$0x0], $0xffff  }
0xa5: {  	v49 =	vadd.s32 s17, v20;
	v52 =	vadd.f32 v52, v56;
	v62 =	vadd.s32 s17, v17;
	v14 =	vld.idx.msk [tilespmem:v14+s9+$0x0], $0xffff  }
0xa6: {  	v6 =	vmax.f32 v6, v55;
	v2 =	vsub.f32 v2, v4;
	v31 =	vmax.f32 v31, v55;
	v55 =	vld.idx.msk [tilespmem:v50+s9+$0x0], $0xffff  }
0xa7: {  	v51 =	vmul.f32 v33, v42;
	v5 =	vsub.f32 v10, v5;
	v61 =	vsub.f32 v9, v58;
	v9 =	vld.idx.msk [tilespmem:v57+s9+$0x0], $0xffff  }
0xa8: {  	v3 =	vmul.f32 v3, v3;
	v1 =	vsub.f32 v1, v31;
	v31 =	vsub.f32 v59, v60;
	v59 =	vld.idx.msk [tilespmem:v13+s2+$0x0], $0xffff  }
0xa9: {  	v51 =	vadd.f32 v51, v56;
	v0 =	vsub.f32 v0, v6;
	v57 =	vmul.f32 v7, v7;
	v13 =	vld.idx.msk [tilespmem:v13+s9+$0x0], $0xffff  }
0xaa: {  	v2 =	vmax.f32 v2, $0.0e+00;
	v7 =	vld.idx.msk [tilespmem:v62+s2+$0x0], $0xffff;
	v5 =	vmax.f32 v5, $0.0e+00;
	v1 =	vmax.f32 v1, $0.0e+00  }
0xab: {  	v58 =	vld.idx.msk [tilespmem:v62+s9+$0x0], $0xffff;
	v3 =	vadd.f32 v57, v3;
	v4 =	vmul.f32 v61, v61;
	v0 =	vmax.f32 v0, $0.0e+00  }
0xac: {  	v8 =	vsub.f32 v54, v8;
	v60 =	vmul.f32 v31, v31;
	v57 =	vld.idx.msk [tilespmem:v49+s2+$0x0], $0xffff;
	v0 =	vmul.f32 v0, v2  }
0xad: {  	v31 =	vld.idx.msk [tilespmem:v47+s9+$0x0], $0xffff;
	v1 =	vmul.f32 v1, v5;
	v61 =	vadd.f32 v4, v3;
	v54 =	vsub.f32 v11, v14  }
0xae: {  	v4 =	vsub.f32 v63, v55;
	v63 =	vld.idx.msk [tilespmem:v45+s9+$0x0], $0xffff;
	v62 =	vsub.f32 v12, v9  }
0xaf: {  	v56 =	vsub.f32 v51, v0;
	v12 =	vld.idx.msk [tilespmem:v49+s9+$0x0], $0xffff;
	v14 =	vsub.f32 v52, v1  }
0xb0: {  	v6 =	vsub.f32 v59, v13;
	v13 =	vld.idx.msk [tilespmem:v44+s9+$0x0], $0xffff;
	v7 =	vsub.f32 v7, v58;
	v58 =	vadd.s32 s17, v22  }
0xb1: {  	v44 =	vld.idx.msk [tilespmem:v46+s9+$0x0], $0xffff;
	(erf) = vrcp.f32 v56  }
0xb2: {  	v2 =	vadd.f32 v60, v61;
	v60 =	vld.idx.msk [tilespmem:v45+s2+$0x0], $0xffff;
	v61 =	vadd.s32 s17, v23;
	(erf) = vrcp.f32 v14  }
0xb3: {  	v8 =	vmul.f32 v8, v8;
	v14 =	vld [tilespmem:$0x1FF40]  }
0xb4: {  	v59 =	vmul.f32 v54, v54;
	v54 =	vadd.s32 s17, v24;
	v10 =	vsub.f32 v57, v12;
	v12 =	vld [tilespmem:$0x1FF90]  }
0xb5: {  	v46 =	vadd.s32 s17, v25;
	v53 =	vld.idx.msk [tilespmem:v58+s2+$0x0], $0xffff  }
0xb6: {  	v3 =	vmul.f32 v62, v62;
	v2 =	vadd.f32 v8, v2;
	v8 =	vld.idx.msk [tilespmem:v58+s9+$0x0], $0xffff  }
0xb7: {  	v55 =	vmul.f32 v4, v4;
	v4 =	vld.idx.msk [tilespmem:v61+s2+$0x0], $0xffff  }
0xb8: {  	v2 =	vadd.f32 v3, v2;
	v11 =	vld.idx.msk [tilespmem:v61+s9+$0x0], $0xffff  }
0xb9: {  	v50 =	vadd.s32 s17, v28;
	v61 =	vld.idx.msk [tilespmem:v54+s9+$0x0], $0xffff  }
0xba: {  	v62 =	vmul.f32 v7, v7;
	v57 =	vsub.f32 v60, v63;
	v63 =	vld.idx.msk [tilespmem:v46+s2+$0x0], $0xffff;
	v2 =	vadd.f32 v59, v2;
	v56 =	vpop (erf)  }
0xbb: {  	v52 =	vmul.f32 v6, v6;
	v60 =	vadd.s32 s17, v26;
	v59 =	vld.idx.msk [tilespmem:v54+s2+$0x0], $0xffff;
	v58 =	vpop (erf)  }
0xbc: {  	v54 =	vld.idx.msk [tilespmem:v46+s9+$0x0], $0xffff;
	v2 =	vadd.f32 v62, v2;
	v0 =	vmul.f32 v56, v0;
	v1 =	vmul.f32 v58, v1  }
0xbd: {  	v45 =	vadd.s32 s17, v27;
	v14 =	vadd.s32 s17, v14;
	v3 =	vmul.f32 v57, v57  }
0xbe: {  	v5 =	vld.idx.msk [tilespmem:v48+s9+$0x0], $0xffff;
	v12 =	vadd.s32 s17, v12;
	v2 =	vadd.f32 v52, v2;
	vm15 =	vge.f32 v1, v0  }
0xbf: {  	v51 =	vld.idx.msk [tilespmem:v50+s9+$0x0], $0xffff;
	v6 =	vsub.f32 v53, v8;
	v42 =	vsel vm15, v32, v42;
	v52 =	vsel vm15, v41, v31  }
0xc0: {  	v4 =	vsub.f32 v4, v11;
	v56 =	vld.idx.msk [tilespmem:v60+s9+$0x0], $0xffff;
	v32 =	vsel vm15, v40, v13;
	v13 =	vmul.f32 v52, v42  }
0xc1: {  	v62 =	vmul.f32 v10, v10;
	v8 =	vsub.f32 v59, v61;
	v10 =	vsub.f32 v63, v54;
	v63 =	vld.idx.msk [tilespmem:v50+s2+$0x0], $0xffff  }
0xc2: {  	v48 =	vld.idx.msk [tilespmem:v14+s2+$0x0], $0xffff;
	v2 =	vadd.f32 v55, v2;
	v31 =	vshra.s32 v13, $0x1;
	v40 =	vmul.f32 $5.000000000e-01, v13  }
0xc3: {  	v4 =	vmul.f32 v4, v4;
	v55 =	vld.idx.msk [tilespmem:v60+s2+$0x0], $0xffff;
	v59 =	vmul.f32 v6, v6;
	v58 =	vsub.s32 $0x5F3759DF, v31  }
0xc4: {  	v9 =	vadd.s32 s17, v29;
	v53 =	vmul.f32 v10, v10;
	v31 =	vld.idx.msk [tilespmem:v14+s9+$0x0], $0xffff;
	v14 =	vmul.f32 v58, v40  }
0xc5: {  	v8 =	vmul.f32 v8, v8;
	v7 =	vld.idx.msk [tilespmem:v12+s2+$0x0], $0xffff;
	v0 =	vmax.f32 v1, v0;
	v1 =	vadd.f32 v62, v2  }
0xc6: {  	v2 =	vld.idx.msk [tilespmem:v12+s9+$0x0], $0xffff;
	v12 =	vsel vm15, v35, v43;
	v33 =	vsel vm15, v38, v33;
	v14 =	vmul.f32 v58, v14  }
0xc7: {  	v60 =	vld.idx.msk [tilespmem:v45+s2+$0x0], $0xffff;
	v57 =	vsel vm15, v34, v44;
	v5 =	vsel vm15, v39, v5;
	v1 =	vadd.f32 v3, v1  }
0xc8: {  	v62 =	vld.idx.msk [tilespmem:v45+s9+$0x0], $0xffff;
	v36 =	vsel vm15, v36, v37;
	v12 =	vsub.f32 v12, v57;
	v14 =	vsub.f32 $1.500000000e+00, v14  }
0xc9: {  	v35 =	vmul.f32 v32, v33;
	v5 =	vsub.f32 v36, v5;
	v1 =	vadd.f32 v59, v1  }
0xca: {  	v3 =	vsub.f32 v63, v51;
	v41 =	vsub.f32 v55, v56;
	v14 =	vmul.f32 v58, v14  }
0xcb: {  	v49 =	vshra.s32 v35, $0x1;
	v43 =	vmul.f32 $5.000000000e-01, v35;
	v1 =	vadd.f32 v4, v1  }
0xcc: {  	v5 =	vmul.f32 v5, v5;
	v61 =	vsel vm15, v48, v7;
	v56 =	vmul.f32 v14, v40  }
0xcd: {  	v10 =	vld.idx.msk [tilespmem:v9+s2+$0x0], $0xffff;
	v54 =	vsub.s32 $0x5F3759DF, v49;
	v55 =	vsub.f32 v60, v62;
	v1 =	vadd.f32 v8, v1  }
0xce: {  	v9 =	vld.idx.msk [tilespmem:v9+s9+$0x0], $0xffff;
	v37 =	vsub.f32 v7, v2;
	v57 =	vmul.f32 v54, v43;
	v2 =	vmul.f32 v56, v14  }
0xcf: {  	v59 =	vmul.f32 v41, v41;
	v0 =	vsub.f32 v61, v0;
	v1 =	vadd.f32 v53, v1  }
0xd0: {  	s19 =	smov.u32 s18;
	s18 =	sadd.s32 $0x1E0, s18;
	v6 =	vmul.f32 v54, v57;
	v58 =	vmul.f32 v12, v12;
	v2 =	vsub.f32 $1.500000000e+00, v2  }
0xd1: {  	p0 =	sne.s32 s18, $0x5BE0;
	v38 =	vmul.f32 v0, v0;
	v0 =	vmul.f32 v55, v55;
	v1 =	vadd.f32 v59, v1  }
.Ltmp0:
0xd2: {  	v61 =	vsub.f32 $1.500000000e+00, v6;
	v60 =	vadd.f32 v5, v58;
	v2 =	vmul.f32 v2, v14;
	(pc) =	sbr.rel @p0 .LBB2_2-.Ltmp0, $4  }
0xd3: {  	v62 =	vmul.f32 v3, v3;
	v41 =	vsub.f32 v10, v9;
	v0 =	vadd.f32 v0, v1  }
0xd4: {  	s17 =	smov.u32 s19;
	v51 =	vmul.f32 v54, v61;
	v63 =	vadd.f32 v60, v42;
	v2 =	vmul.f32 v2, v13  }
0xd5: {  	p1 =	sne.s32 s17, $0x2EE0;
	v34 =	vsel vm15, v7, v48;
	v39 =	vsub.f32 v48, v31;
	v40 =	vadd.f32 v62, v0  }
0xd6: {  	s20 =	simm.s32 @!p1 $0x3;
	v60 =	vmul.f32 v51, v43;
	v56 =	vadd.f32 v63, v52;
	v59 =	vadd.f32 v2, v2  }
0xd7: {  	_ =	swait.ge @!p1 [sflag:s20], $0x2D00  }
0xd8: {  	[sflag:s20] =	ssyncset.done @!p1 $0x0  }
0xd9: {  	s18 =	simm.s32 @!p1 $0x4;
	v0 =	vld [tilespmem:$0x1FF80];
	[sflag:s20] =	ssyncadd.s32 @!p1 $0xFFFFD300  }
0xda: {  	v7 =	vld [tilespmem:$0x1FF10];
	_ =	swait.ge @!p1 [sflag:s18], $0x2D00  }
0xdb: {  	v1 =	vld [tilespmem:$0x1FF20]  }
0xdc: {  	v2 =	vadd.s32 s17, v15;
	v3 =	vld [tilespmem:$0x1FF30]  }
0xdd: {  	v4 =	vld [tilespmem:$0x1FF70]  }
0xde: {  	v8 =	vld [tilespmem:$0x1FF50];
	v53 =	vadd.s32 s17, v0  }
0xdf: {  	[sflag:s18] =	ssyncset.done @!p1 $0x0;
	v9 =	vld [tilespmem:$0x1FF60];
	v0 =	vadd.s32 s17, v7  }
0xe0: {  	v46 =	vld [tilespmem:$0x1FFA0];
	[sflag:s18] =	ssyncadd.s32 @!p1 $0xFFFFD300  }
0xe1: {  	v43 =	vld.idx.msk [tilespmem:v2+s2+$0x0], $0xffff;
	v1 =	vadd.s32 s17, v1  }
0xe2: {  	v45 =	vld.idx.msk [tilespmem:v2+s9+$0x0], $0xffff;
	v3 =	vadd.s32 s17, v3  }
0xe3: {  	v58 =	vadd.s32 s17, v4;
	v44 =	vld.idx.msk [tilespmem:v53+s2+$0x0], $0xffff  }
0xe4: {  	v50 =	vadd.s32 s17, v8;
	v36 =	vld.idx.msk [tilespmem:v0+s2+$0x0], $0xffff  }
0xe5: {  	v4 =	vadd.s32 s17, v46;
	v46 =	vld.idx.msk [tilespmem:v0+s9+$0x0], $0xffff  }
0xe6: {  	v48 =	vadd.s32 s17, v9;
	v55 =	vld.idx.msk [tilespmem:v1+s2+$0x0], $0xffff  }
0xe7: {  	v49 =	vld.idx.msk [tilespmem:v3+s2+$0x0], $0xffff  }
0xe8: {  	v57 =	vld.idx.msk [tilespmem:v58+s2+$0x0], $0xffff  }
0xe9: {  	v47 =	vld.idx.msk [tilespmem:v50+s2+$0x0], $0xffff  }
0xea: {  	v5 =	vmul.f32 $7.142857460e-02, v43;
	v54 =	vld.idx.msk [tilespmem:v1+s9+$0x0], $0xffff  }
0xeb: {  	v63 =	vmul.f32 $7.142857460e-02, v45;
	v42 =	vld.idx.msk [tilespmem:v48+s2+$0x0], $0xffff;
	v10 =	vmul.f32 $7.142857460e-02, v36  }
0xec: {  	v52 =	vld.idx.msk [tilespmem:v3+s9+$0x0], $0xffff;
	v3 =	vmul.f32 $5.000000000e-01, v44;
	v11 =	vmul.f32 $5.000000000e-01, v49  }
0xed: {  	v13 =	vmul.f32 $7.142857460e-02, v46;
	v61 =	vmul.f32 $5.000000000e-01, v55  }
0xee: {  	v7 =	vmul.f32 $5.000000000e-01, v57;
	v8 =	vmul.f32 $7.142857460e-02, v47;
	v6 =	vsub.f32 v10, v11  }
0xef: {  	v62 =	vmul.f32 $5.000000000e-01, v54;
	v1 =	vadd.f32 v11, v10;
	v9 =	vsub.f32 v5, v61  }
0xf0: {  	v10 =	vmul.f32 $7.142857460e-02, v42;
	v0 =	vadd.f32 v61, v5;
	v12 =	vsub.f32 v8, v7  }
0xf1: {  	v11 =	vmul.f32 $5.000000000e-01, v52;
	v61 =	vadd.f32 v62, v63;
	v2 =	vsub.f32 v63, v62  }
0xf2: {  	v62 =	vld [tilespmem:$0x1FFB0];
	v7 =	vadd.f32 v7, v8;
	v14 =	vadd.f32 v3, v10  }
0xf3: {  	v63 =	vsub.f32 v13, v11;
	v11 =	vadd.f32 v11, v13;
	v13 =	vld [tilespmem:$0x1FFD0]  }
0xf4: {  	v3 =	vsub.f32 v10, v3;
	v9 =	vmax.f32 v9, v2;
	v2 =	vmax.f32 v12, v2;
	v12 =	vld [tilespmem:$0x1FFC0]  }
0xf5: {  	v7 =	vmin.f32 v7, v61;
	v0 =	vmin.f32 v0, v61;
	v61 =	vld [tilespmem:$0x1FFE0]  }
0xf6: {  	v2 =	vsub.f32 v7, v2;
	v7 =	vld.idx.msk [tilespmem:v4+s2+$0x0], $0xffff;
	v3 =	vmax.f32 v3, v63;
	v1 =	vmin.f32 v1, v11  }
0xf7: {  	v4 =	vld.idx.msk [tilespmem:v4+s9+$0x0], $0xffff;
	v11 =	vmin.f32 v14, v11;
	v14 =	vmul.f32 v49, v55;
	v5 =	vadd.s32 s17, v62  }
0xf8: {  	v6 =	vmax.f32 v6, v63;
	v63 =	vmul.f32 v44, v57;
	v62 =	vmul.f32 v52, v54  }
0xf9: {  	v3 =	vsub.f32 v11, v3;
	v1 =	vsub.f32 v1, v6;
	v12 =	vadd.s32 s17, v12  }
0xfa: {  	v6 =	vadd.f32 v63, v62;
	v11 =	vadd.f32 v14, v62;
	v62 =	vmul.f32 v60, v51  }
0xfb: {  	v10 =	vadd.s32 s17, v61;
	v61 =	vld [tilespmem:$0x1FFF0]  }
0xfc: {  	v13 =	vadd.s32 s17, v13;
	v4 =	vsub.f32 v7, v4;
	v7 =	vsub.f32 $1.500000000e+00, v62;
	v8 =	vld.idx.msk [tilespmem:v5+s2+$0x0], $0xffff  }
0xfd: {  	v0 =	vsub.f32 v0, v9;
	v5 =	vld.idx.msk [tilespmem:v5+s9+$0x0], $0xffff  }
0xfe: {  	v2 =	vmax.f32 v2, $0.0e+00;
	v7 =	vmul.f32 v7, v51;
	v51 =	vld.idx.msk [tilespmem:v53+s9+$0x0], $0xffff  }
0xff: {  	v0 =	vmax.f32 v0, $0.0e+00;
	v3 =	vmax.f32 v3, $0.0e+00;
	v1 =	vmax.f32 v1, $0.0e+00;
	v9 =	vld.idx.msk [tilespmem:v12+s2+$0x0], $0xffff  }
0x100: {  	v2 =	vmul.f32 v3, v2;
	v0 =	vmul.f32 v1, v0;
	v1 =	vadd.s32 s17, v16;
	v12 =	vld.idx.msk [tilespmem:v12+s9+$0x0], $0xffff  }
0x101: {  	v14 =	vld.idx.msk [tilespmem:v13+s2+$0x0], $0xffff  }
0x102: {  	v6 =	vsub.f32 v6, v2;
	v3 =	vadd.s32 s17, v61;
	v13 =	vld.idx.msk [tilespmem:v13+s9+$0x0], $0xffff  }
0x103: {  	v63 =	vld.idx.msk [tilespmem:v10+s2+$0x0], $0xffff  }
0x104: {  	v11 =	vsub.f32 v11, v0;
	(erf) = vrcp.f32 v6;
	v6 =	vadd.s32 s17, v17;
	v10 =	vld.idx.msk [tilespmem:v10+s9+$0x0], $0xffff  }
0x105: {  	v60 =	vld.idx.msk [tilespmem:v1+s2+$0x0], $0xffff;
	v5 =	vsub.f32 v8, v5  }
0x106: {  	v4 =	vmul.f32 v4, v4;
	(erf) = vrcp.f32 v11;
	v1 =	vld.idx.msk [tilespmem:v1+s9+$0x0], $0xffff  }
0x107: {  	v11 =	vadd.s32 s17, v18;
	v9 =	vsub.f32 v9, v12;
	v12 =	vld.idx.msk [tilespmem:v3+s2+$0x0], $0xffff;
	v5 =	vmul.f32 v5, v5  }
0x108: {  	v34 =	vmul.f32 v34, v34;
	v61 =	vadd.s32 s17, v19;
	v7 =	vmul.f32 v7, v35;
	v3 =	vld.idx.msk [tilespmem:v3+s9+$0x0], $0xffff  }
0x109: {  	v13 =	vsub.f32 v14, v13;
	v62 =	vld.idx.msk [tilespmem:v6+s2+$0x0], $0xffff;
	v4 =	vadd.f32 v5, v4;
	v9 =	vmul.f32 v9, v9  }
0x10a: {  	v53 =	vmul.f32 v37, v37;
	v7 =	vadd.f32 v7, v7;
	v14 =	vsub.f32 v56, v59;
	v6 =	vld.idx.msk [tilespmem:v6+s9+$0x0], $0xffff  }
0x10b: {  	v8 =	vsub.f32 v63, v10;
	v63 =	vmul.f32 v13, v13;
	v4 =	vadd.f32 v9, v4  }
0x10c: {  	v10 =	vld.idx.msk [tilespmem:v11+s2+$0x0], $0xffff;
	v1 =	vsub.f32 v60, v1;
	v13 =	vadd.f32 v14, v33;
	v14 =	vadd.s32 s17, v20  }
0x10d: {  	v11 =	vld.idx.msk [tilespmem:v11+s9+$0x0], $0xffff;
	v8 =	vmul.f32 v8, v8;
	v3 =	vsub.f32 v12, v3;
	v4 =	vadd.f32 v63, v4  }
0x10e: {  	v56 =	vadd.s32 s17, v21;
	v5 =	vld.idx.msk [tilespmem:v61+s2+$0x0], $0xffff;
	v1 =	vmul.f32 v1, v1;
	v59 =	vpop (erf);
	v12 =	vadd.f32 v13, v32  }
0x10f: {  	v13 =	vld.idx.msk [tilespmem:v61+s9+$0x0], $0xffff;
	v6 =	vsub.f32 v62, v6;
	v61 =	vpop (erf);
	v3 =	vmul.f32 v3, v3;
	v4 =	vadd.f32 v8, v4  }
0x110: {  	v2 =	vmul.f32 v59, v2;
	v62 =	vld.idx.msk [tilespmem:v58+s9+$0x0], $0xffff;
	v0 =	vmul.f32 v61, v0;
	v63 =	vadd.s32 s17, v22  }
0x111: {  	v7 =	vsub.f32 v12, v7;
	v12 =	vmul.f32 v41, v41;
	v60 =	vld.idx.msk [tilespmem:v14+s2+$0x0], $0xffff;
	v3 =	vadd.f32 v3, v4  }
0x112: {  	v10 =	vsub.f32 v10, v11;
	v41 =	vld.idx.msk [tilespmem:v14+s9+$0x0], $0xffff;
	v6 =	vmul.f32 v6, v6;
	v14 =	vadd.f32 v38, v38  }
0x113: {  	v61 =	vld.idx.msk [tilespmem:v50+s9+$0x0], $0xffff;
	v32 =	vadd.f32 v12, v40;
	v12 =	vadd.s32 s17, v23;
	v1 =	vadd.f32 v1, v3  }
0x114: {  	vm0 =	vge.f32 v0, v2;
	v8 =	vld.idx.msk [tilespmem:v56+s9+$0x0], $0xffff;
	v7 =	vmul.f32 $5.000000000e+00, v7;
	v5 =	vsub.f32 v5, v13  }
0x115: {  	v13 =	vld.idx.msk [tilespmem:v56+s2+$0x0], $0xffff;
	v33 =	vsel vm0, v54, v62;
	v1 =	vadd.f32 v6, v1;
	v6 =	vsel vm0, v55, v57  }
0x116: {  	v11 =	vsel vm0, v52, v51;
	v51 =	vld [tilespmem:$0x1FF40];
	v7 =	vadd.f32 v7, v14;
	v14 =	vmul.f32 v33, v6  }
0x117: {  	v50 =	vadd.s32 s17, v25;
	v10 =	vmul.f32 v10, v10;
	v36 =	vsel vm0, v36, v42;
	v56 =	vld.idx.msk [tilespmem:v63+s2+$0x0], $0xffff  }
0x118: {  	v62 =	vadd.s32 s17, v24;
	v57 =	vld.idx.msk [tilespmem:v12+s2+$0x0], $0xffff;
	v58 =	vshra.s32 v14, $0x1;
	v59 =	vmul.f32 $5.000000000e-01, v14  }
0x119: {  	v3 =	vsub.f32 v60, v41;
	v7 =	vadd.f32 v7, v34;
	v12 =	vld.idx.msk [tilespmem:v12+s9+$0x0], $0xffff;
	v60 =	vsub.s32 $0x5F3759DF, v58  }
0x11a: {  	v4 =	vld.idx.msk [tilespmem:v63+s9+$0x0], $0xffff;
	v34 =	vsel vm0, v49, v44;
	v8 =	vsub.f32 v13, v8;
	v13 =	vmul.f32 v60, v59  }
0x11b: {  	v54 =	vadd.s32 s17, v27;
	v63 =	vld.idx.msk [tilespmem:v48+s9+$0x0], $0xffff;
	v48 =	vsel vm0, v43, v47;
	v38 =	vmul.f32 v11, v34  }
0x11c: {  	v9 =	vsel vm0, v45, v61;
	v5 =	vmul.f32 v5, v5;
	v13 =	vmul.f32 v60, v13  }
0x11d: {  	v55 =	vmul.f32 v39, v39;
	v1 =	vadd.f32 v10, v1;
	v49 =	vmul.f32 $5.000000000e-01, v38  }
0x11e: {  	v10 =	vsub.f32 v57, v12;
	v12 =	vshra.s32 v38, $0x1;
	v13 =	vsub.f32 $1.500000000e+00, v13  }
0x11f: {  	v3 =	vmul.f32 v3, v3;
	v44 =	vadd.s32 s17, v51;
	v12 =	vsub.s32 $0x5F3759DF, v12  }
0x120: {  	v43 =	vld.idx.msk [tilespmem:v50+s9+$0x0], $0xffff;
	v1 =	vadd.f32 v5, v1;
	v5 =	vmul.f32 v60, v13;
	v13 =	vmul.f32 v12, v49  }
0x121: {  	v35 =	vadd.f32 v53, v55;
	v40 =	vsel vm0, v46, v63;
	v53 =	vadd.s32 s17, v26;
	v57 =	vld [tilespmem:$0x1FF90]  }
0x122: {  	v52 =	vld.idx.msk [tilespmem:v62+s2+$0x0], $0xffff;
	v36 =	vsub.f32 v36, v40;
	v37 =	vmul.f32 v5, v59;
	v13 =	vmul.f32 v12, v13  }
0x123: {  	v39 =	vld.idx.msk [tilespmem:v62+s9+$0x0], $0xffff;
	v8 =	vmul.f32 v8, v8;
	v1 =	vadd.f32 v3, v1;
	v3 =	vsub.f32 v48, v9  }
0x124: {  	v4 =	vsub.f32 v56, v4;
	v55 =	vld.idx.msk [tilespmem:v50+s2+$0x0], $0xffff;
	v56 =	vmul.f32 v37, v5;
	v13 =	vsub.f32 $1.500000000e+00, v13  }
0x125: {  	v63 =	vld.idx.msk [tilespmem:v54+s2+$0x0], $0xffff;
	v36 =	vmul.f32 v36, v36;
	v1 =	vadd.f32 v8, v1;
	v3 =	vmul.f32 v3, v3  }
0x126: {  	v9 =	vld.idx.msk [tilespmem:v54+s9+$0x0], $0xffff;
	v37 =	vadd.s32 s17, v57;
	v12 =	vmul.f32 v12, v13;
	v8 =	vsub.f32 $1.500000000e+00, v56  }
0x127: {  	v62 =	vadd.s32 s17, v29;
	v4 =	vmul.f32 v4, v4;
	v54 =	vld.idx.msk [tilespmem:v44+s9+$0x0], $0xffff;
	v3 =	vadd.f32 v36, v3  }
0x128: {  	v58 =	vadd.s32 s17, v28;
	v60 =	vld.idx.msk [tilespmem:v53+s9+$0x0], $0xffff;
	v5 =	vmul.f32 v8, v5;
	v61 =	vmul.f32 v12, v49  }
0x129: {  	v10 =	vmul.f32 v10, v10;
	v1 =	vadd.f32 v4, v1;
	v3 =	vadd.f32 v3, v6;
	v59 =	vld.idx.msk [tilespmem:v53+s2+$0x0], $0xffff  }
0x12a: {  	v39 =	vsub.f32 v52, v39;
	v13 =	vld.idx.msk [tilespmem:v44+s2+$0x0], $0xffff;
	v5 =	vmul.f32 v5, v14;
	v8 =	vmul.f32 v61, v12  }
0x12b: {  	v1 =	vadd.f32 v10, v1;
	v3 =	vadd.f32 v3, v33;
	v46 =	vld.idx.msk [tilespmem:v37+s2+$0x0], $0xffff  }
0x12c: {  	v14 =	vmul.f32 v39, v39;
	v5 =	vadd.f32 v5, v5;
	v8 =	vsub.f32 $1.500000000e+00, v8  }
0x12d: {  	v0 =	vmax.f32 v0, v2;
	v40 =	vsub.f32 v55, v43;
	v47 =	vld.idx.msk [tilespmem:v58+s2+$0x0], $0xffff;
	v6 =	vsub.f32 v63, v9  }
0x12e: {  	v1 =	vadd.f32 v14, v1;
	v14 =	vld.idx.msk [tilespmem:v58+s9+$0x0], $0xffff;
	v49 =	vsub.f32 v3, v5;
	v50 =	vmul.f32 v8, v12  }
0x12f: {  	v51 =	vld.idx.msk [tilespmem:v62+s2+$0x0], $0xffff;
	v48 =	vmul.f32 v40, v40;
	v4 =	vsub.f32 v59, v60;
	v59 =	vsub.f32 v13, v54  }
0x130: {  	v52 =	vld.idx.msk [tilespmem:v62+s9+$0x0], $0xffff;
	v12 =	vsel vm0, v13, v46;
	v2 =	vadd.f32 v49, v34;
	v3 =	vmul.f32 v50, v38  }
0x131: {  	v4 =	vmul.f32 v4, v4;
	v53 =	vld.idx.msk [tilespmem:v37+s9+$0x0], $0xffff;
	v1 =	vadd.f32 v48, v1;
	v0 =	vsub.f32 v12, v0  }
0x132: {  	v2 =	vadd.f32 v2, v11;
	v3 =	vadd.f32 v3, v3  }
0x133: {  	v6 =	vmul.f32 v6, v6;
	v1 =	vadd.f32 v4, v1;
	v55 =	vsub.f32 v47, v14  }
0x134: {  	v60 =	vmul.f32 v59, v59;
	v0 =	vmul.f32 v0, v0;
	v2 =	vsub.f32 v2, v3  }
0x135: {  	v5 =	vsub.f32 v51, v52;
	v1 =	vadd.f32 v6, v1;
	v58 =	vmul.f32 v55, v55  }
0x136: {  	v56 =	vsub.f32 v46, v53;
	v0 =	vadd.f32 v0, v0;
	v2 =	vmul.f32 $5.000000000e+00, v2  }
0x137: {  	v57 =	vsel vm0, v46, v13;
	v5 =	vmul.f32 v5, v5;
	v1 =	vadd.f32 v58, v1  }
0x138: {  	v6 =	vmul.f32 v57, v57;
	v3 =	vmul.f32 v56, v56;
	v0 =	vadd.f32 v2, v0  }
0x139: {  	v7 =	vadd.f32 v32, v7;
	v1 =	vadd.f32 v5, v1  }
0x13a: {  	v61 =	vmul.f32 $5.000000000e-01, v35;
	v2 =	vadd.f32 v3, v60;
	v0 =	vadd.f32 v0, v6  }
0x13b: {  	vm14 =	vgt.f32 v31, $0.0e+00  }
0x13c: {  	v3 =	vsel vm14, v7, v61;
	v62 =	vmul.f32 $5.000000000e-01, v2;
	v0 =	vadd.f32 v1, v0  }
0x13d: {  	vm15 =	vgt.f32 v54, $0.0e+00;
	v63 =	vadd.f32 v3, v30  }
0x13e: {  	v0 =	vsel vm15, v0, v62  }
0x13f: {  	v0 =	vadd.f32 v0, v63;
	_ =	sdelay $0x1  }
0x140: {  	s16 =	sadd.s32 $0x1, s16;
	v0 =	vmul.f32 $7.812500000e-03, v0  }
0x141: {  	p0 =	sne.s32 s16, s8  }
.Ltmp1:
0x142: {  	[tilespmem:$0xB800] =	vst v0;
	(pc) =	sbr.rel @p0 .LBB2_1-.Ltmp1, $4  }
0x143: {  	[hbm4b:s7+s2] =	stream.linear.scatter [tilespmem:s14], [sflag:$0x5], $0x80, $0x38;
	[tilespmem:$0xB880] =	vst v63  }
0x144: {  	_ =	swait.ge [sflag:s15], $0x80  }
0x145: {  	[sflag:s15] =	ssyncset.done $0x0  }
0x146: {  	[sflag:s15] =	ssyncadd.s32 $0xFFFFFF80  }
0x147: {  	_ =	sfence.sel $0x180000  }
0x148: {  	[bflag:$0x0] =	sbarrier.arrive $0xFFFF  }
0x149: {  	p0 =	sne.s32 s1, $0x0;
	_ =	strace $0x90000047  }
0x14a: {  	s0 =	sadd.s32 @!p0 $0x100000, s0;
	[bflag:$0x2] =	sbarrier.arrive $0xFFFF  }
0x14b: {  	[sflag:s0] =	ssyncadd.tile.s32 @!p0 $0x1;
	_ =	shalt  }
.Lfunc_end2:
_tile_overlayer_lowered:
.L_overlay_start_2:
0x14c: {  	(tag) =	ssettag $0x2  }
0x14d: {  	s0 =	rddreg [dreg:$0x0];
	s2 =	stileid.u32  }
0x14e: {  	s1 =	rddreg [dreg:$0x1];
	p0 =	sne.s32 s2, $0x0  }
0x14f: {  	s3 =	rddreg [dreg:$0x2];
	[bflag:$0x3] =	sbarrier.arrive $0xFFFF;
	s2 =	simm.s32 @!p0 $0x1C05  }
0x150: {  	[timem:s3], [sflag:s2] =	dma.local @!p0 [hbm:s0], s1  }
0x151: {  	s0 =	simm.s32 @!p0 $0x5  }
0x152: {  	_ =	swait.ge @!p0 [sflag:s0], s1  }
0x153: {  	s1 =	ssub.s32 @!p0 $0x0, s1;
	[sflag:s0] =	ssyncset.done @!p0 $0x0  }
0x154: {  	[sflag:s0] =	ssyncadd.s32 @!p0 s1  }
0x155: {  	[bflag:$0x3] =	sbarrier.arrive $0xFFFF  }
0x156: {  	_ =	shalt  }

</sc_bundles>
